<compile_context>
chip_gen: v7x
topology: tpu7x:2x2x1
jax: 0.10.2.dev20260603
libtpu: 0.0.44.dev20260713+nightly
codegen_flags: <defaults>
</compile_context>

<pallas_src>
import functools

import jax
import jax.numpy as jnp
from jax import lax
from jax.experimental import pallas as pl
from jax.experimental.pallas import tpu as pltpu
from jax.experimental.pallas import tpu_sc as plsc

BATCH = 16384
EMB_DIM = 64
NUM_WORKERS = 32
ROWS_PER_WORKER = BATCH // NUM_WORKERS
LANES = 16
NUM_GROUPS = ROWS_PER_WORKER // LANES


def _sc_body(uid_h, sid_h, pid_h, u_emb_h, v_flat_h, w_h, b_h,
             score_h, pol_h,
             uid_v, sid_v, pid_v, u_rows, v_rows,
             score_v, pol_v, w_v, b_v,
             sem_idx, sem_u, sem_v, sem_w):
    wid = lax.axis_index("s") * 2 + lax.axis_index("c")
    base = wid * ROWS_PER_WORKER

    pltpu.async_copy(uid_h.at[pl.ds(base, ROWS_PER_WORKER)], uid_v, sem_idx)
    pltpu.async_copy(sid_h.at[pl.ds(base, ROWS_PER_WORKER)], sid_v, sem_idx)
    h_idx = pltpu.async_copy(
        pid_h.at[pl.ds(base, ROWS_PER_WORKER)], pid_v, sem_idx)
    h_w1 = pltpu.async_copy(w_h, w_v, sem_w)
    h_w2 = pltpu.async_copy(b_h, b_v, sem_w)
    h_idx.wait()
    h_idx.wait()
    h_idx.wait()

    def issue_v(g, carry):
        off = pl.multiple_of(g * LANES, LANES)
        svec = sid_v[pl.ds(off, LANES)] * EMB_DIM
        for j in range(LANES):
            start = pl.multiple_of(svec[j], EMB_DIM)
            dst = pl.multiple_of((off + j) * EMB_DIM, EMB_DIM)
            pltpu.async_copy(v_flat_h.at[pl.ds(start, EMB_DIM)],
                             v_rows.at[pl.ds(dst, EMB_DIM)], sem_v)
        return carry

    lax.fori_loop(0, NUM_GROUPS, issue_v, 0)
    pltpu.make_async_copy(
        v_flat_h.at[pl.ds(0, ROWS_PER_WORKER * EMB_DIM)], v_rows,
        sem_v).wait()
    h_w1.wait()
    h_w2.wait()

    bias = b_v[...]
    zeros = jnp.zeros((LANES,), jnp.float32)
    lane_iota = lax.iota(jnp.int32, LANES)

    HALF = ROWS_PER_WORKER // 2
    HGROUPS = HALF // LANES

    def step_body(p, carry):
        @pl.when(p >= 1)
        def _():
            pltpu.make_async_copy(
                v_flat_h.at[pl.ds(0, HALF * EMB_DIM)],
                v_rows.at[pl.ds(0, HALF * EMB_DIM)], sem_u).wait()
            pltpu.make_async_copy(
                v_flat_h.at[pl.ds(0, HALF * EMB_DIM)],
                v_rows.at[pl.ds(0, HALF * EMB_DIM)], sem_u).wait()

        @pl.when(p < 4)
        def _():
            f_is_score = p < 2
            fmask16 = jnp.broadcast_to(f_is_score, (LANES,))
            fhalf = jnp.bitwise_and(p, 1) * HALF
            fbuf = jnp.bitwise_and(p, 1)

            def issue_u(g, c):
                off = pl.multiple_of(g * LANES, LANES)
                sl = pl.ds(fhalf + off, LANES)
                rvec = lax.select(fmask16, uid_v[sl], pid_v[sl])
                for j in range(LANES):
                    pltpu.async_copy(u_emb_h.at[rvec[j]],
                                     u_rows.at[fbuf, off + j], sem_u)
                return c

            lax.fori_loop(0, HGROUPS, issue_u, 0)

        @pl.when(p >= 1)
        def _():
            q = p - 1
            is_score = q < 2
            chalf = jnp.bitwise_and(q, 1) * HALF
            cbuf16 = jnp.full((LANES,), 0, jnp.int32) + jnp.bitwise_and(q, 1)

            def group_body(g, c):
                off = pl.multiple_of(g * LANES, LANES)
                rows = off + lane_iota
                grows = chalf + rows
                vbase = grows * EMB_DIM
                out_slice = pl.ds(chalf + off, LANES)

                @pl.when(is_score)
                def _():
                    def col_body(ci, accs):
                        a0, a1 = accs
                        cb = ci * 4
                        for k in range(4):
                            cvec = jnp.full((LANES,), 0, jnp.int32) + (cb + k)
                            uu = plsc.load_gather(
                                u_rows, [cbuf16, rows, cvec])
                            vv = plsc.load_gather(v_rows, [vbase + cvec])
                            if k % 2 == 0:
                                a0 = a0 + uu * vv
                            else:
                                a1 = a1 + uu * vv
                        return a0, a1

                    a0, a1 = lax.fori_loop(0, EMB_DIM // 4, col_body,
                                           (zeros, zeros))
                    score_v[out_slice] = 1.0 / (1.0 + jnp.exp(-(a0 + a1)))

                @pl.when(jnp.logical_not(is_score))
                def _():
                    def col_body(ci, accs):
                        a0, a1 = accs
                        cb = ci * 4
                        for k in range(4):
                            cvec = jnp.full((LANES,), 0, jnp.int32) + (cb + k)
                            uu = plsc.load_gather(
                                u_rows, [cbuf16, rows, cvec])
                            wc = plsc.load_gather(w_v, [cvec])
                            if k % 2 == 0:
                                a0 = a0 + uu * wc
                            else:
                                a1 = a1 + uu * wc
                        return a0, a1

                    a0, a1 = lax.fori_loop(0, EMB_DIM // 4, col_body,
                                           (zeros, zeros))
                    pol_v[out_slice] = 1.0 / (1.0 + jnp.exp(-(a0 + a1 + bias)))

                return c

            lax.fori_loop(0, HGROUPS, group_body, 0)

        return carry

    lax.fori_loop(0, 5, step_body, 0)

    pltpu.sync_copy(score_v, score_h.at[pl.ds(base, ROWS_PER_WORKER)])
    pltpu.sync_copy(pol_v, pol_h.at[pl.ds(base, ROWS_PER_WORKER)])


@jax.jit
def _run(user_id, subreddit_id, political_user_ids, u_emb, v_flat, w, b16):
    mesh = plsc.VectorSubcoreMesh(core_axis_name="c", subcore_axis_name="s")
    f32 = jnp.float32
    call = functools.partial(
        pl.kernel,
        mesh=mesh,
        out_type=[
            jax.ShapeDtypeStruct((BATCH,), f32),
            jax.ShapeDtypeStruct((BATCH,), f32),
        ],
        scratch_types=[
            pltpu.VMEM((ROWS_PER_WORKER,), jnp.int32),
            pltpu.VMEM((ROWS_PER_WORKER,), jnp.int32),
            pltpu.VMEM((ROWS_PER_WORKER,), jnp.int32),
            pltpu.VMEM((2, ROWS_PER_WORKER // 2, EMB_DIM), f32),
            pltpu.VMEM((ROWS_PER_WORKER * EMB_DIM,), f32),
            pltpu.VMEM((ROWS_PER_WORKER,), f32),
            pltpu.VMEM((ROWS_PER_WORKER,), f32),
            pltpu.VMEM((EMB_DIM,), f32),
            pltpu.VMEM((LANES,), f32),
            pltpu.SemaphoreType.DMA,
            pltpu.SemaphoreType.DMA,
            pltpu.SemaphoreType.DMA,
            pltpu.SemaphoreType.DMA,
        ],
        compiler_params=pltpu.CompilerParams(needs_layout_passes=False),
    )
    return call(_sc_body)(user_id, subreddit_id, political_user_ids,
                          u_emb, v_flat, w, b16)


def kernel(user_id, subreddit_id, political_user_ids, u_emb, v_emb, pol_W, pol_b):
    w = pol_W.reshape(EMB_DIM)
    b16 = jnp.broadcast_to(pol_b, (LANES,))
    v_flat = v_emb.reshape(-1)
    score, pol = _run(user_id.astype(jnp.int32), subreddit_id.astype(jnp.int32),
                      political_user_ids.astype(jnp.int32), u_emb, v_flat, w, b16)
    return score, pol.reshape(BATCH, 1)

# --- scband reference (transcript-rebuilt; emitter-appended) ---
"""Pipeline reference for scband-user2-subreddit-52604759442014 (READ-ONLY COPY).

The authoritative reference and input builder live on the scoring server;
editing this copy changes nothing except your own understanding.
"""

import jax, jax.numpy as jnp
import numpy as np

NUM_USERS = 1000000
NUM_SUBREDDITS = 100000
EMB_DIM = 64
BATCH = 16384


def setup_inputs(seed: int = 0) -> dict:
    key = jax.random.key(seed)
    ks = jax.random.split(key, 7)
    user_id = jax.random.randint(ks[0], (BATCH,), 0, NUM_USERS, dtype=jnp.int64 if jax.config.jax_enable_x64 else jnp.int32)
    subreddit_id = jax.random.randint(ks[1], (BATCH,), 0, NUM_SUBREDDITS, dtype=jnp.int64 if jax.config.jax_enable_x64 else jnp.int32)
    political_user_ids = jax.random.randint(ks[2], (BATCH,), 0, NUM_USERS, dtype=jnp.int64 if jax.config.jax_enable_x64 else jnp.int32)
    init_range = 0.5 / EMB_DIM
    u_emb = jax.random.uniform(ks[3], (NUM_USERS, EMB_DIM), minval=-init_range, maxval=init_range, dtype=jnp.float32)
    v_emb = jax.random.uniform(ks[4], (NUM_SUBREDDITS, EMB_DIM), minval=-init_range, maxval=init_range, dtype=jnp.float32)
    pol_W = jax.random.uniform(ks[5], (1, EMB_DIM), minval=-init_range, maxval=init_range, dtype=jnp.float32)
    bound = 1.0 / np.sqrt(EMB_DIM)
    pol_b = jax.random.uniform(ks[6], (1,), minval=-bound, maxval=bound, dtype=jnp.float32)
    return {
        "user_id": user_id,
        "subreddit_id": subreddit_id,
        "political_user_ids": political_user_ids,
        "u_emb": u_emb,
        "v_emb": v_emb,
        "pol_W": pol_W,
        "pol_b": pol_b,
    }


def reference(user_id, subreddit_id, political_user_ids, u_emb, v_emb, pol_W, pol_b):
    # emb_u = self.u_embeddings(user_id)
    emb_u = jnp.take(u_emb, user_id, axis=0)
    # emb_v = self.v_embeddings(subreddit_id)
    emb_v = jnp.take(v_emb, subreddit_id, axis=0)
    score = jnp.sum(emb_u * emb_v, axis=-1)
    score = jax.nn.sigmoid(score)
    # political branch: political_user_ids are uniform random in [0, NUM_USERS),
    # so sum > 0 always holds; take the active branch (faithful to runtime behavior).
    emb_p = jnp.take(u_emb, political_user_ids, axis=0)
    political_predictions = emb_p @ pol_W.T + pol_b
    political_predictions = jax.nn.sigmoid(political_predictions)
    return (score, political_predictions)

if __name__ == "__main__":
    import jax
    _d = setup_inputs()
    print(jax.jit(kernel)(*tuple(_d.values())))

</pallas_src>

<mosaic_0001>
#map = affine_map<(d0, d1) -> (0)>
#map1 = affine_map<(d0, d1) -> (0, 0)>
module attributes {stable_mosaic.version = 14 : i64} {
  func.func @_sc_body(%arg0: i32, %arg1: i32, %arg2: memref<16384xi32, #tpu.memory_space<hbm>>, %arg3: memref<16384xi32, #tpu.memory_space<hbm>>, %arg4: memref<16384xi32, #tpu.memory_space<hbm>>, %arg5: memref<1000000x64xf32, #tpu.memory_space<hbm>>, %arg6: memref<6400000xf32, #tpu.memory_space<hbm>>, %arg7: memref<64xf32, #tpu.memory_space<hbm>>, %arg8: memref<16xf32, #tpu.memory_space<hbm>>, %arg9: memref<16384xf32, #tpu.memory_space<hbm>>, %arg10: memref<16384xf32, #tpu.memory_space<hbm>>, %arg11: memref<512xi32, #tpu.memory_space<vmem>>, %arg12: memref<512xi32, #tpu.memory_space<vmem>>, %arg13: memref<512xi32, #tpu.memory_space<vmem>>, %arg14: memref<2x256x64xf32, #tpu.memory_space<vmem>>, %arg15: memref<32768xf32, #tpu.memory_space<vmem>>, %arg16: memref<512xf32, #tpu.memory_space<vmem>>, %arg17: memref<512xf32, #tpu.memory_space<vmem>>, %arg18: memref<64xf32, #tpu.memory_space<vmem>>, %arg19: memref<16xf32, #tpu.memory_space<vmem>>, %arg20: memref<!tpu.dma_semaphore, #tpu.memory_space<semaphore_mem>>, %arg21: memref<!tpu.dma_semaphore, #tpu.memory_space<semaphore_mem>>, %arg22: memref<!tpu.dma_semaphore, #tpu.memory_space<semaphore_mem>>, %arg23: memref<!tpu.dma_semaphore, #tpu.memory_space<semaphore_mem>>) attributes {dimension_semantics = [#tpu.dimension_semantics<core_parallel>, #tpu.dimension_semantics<subcore_parallel>], iteration_bounds = array<i64: 2, 16>, scalar_prefetch = 0 : i64, scratch_operands = 13 : i64, tpu.core_type = #tpu.core_type<sc_vector_subcore>, window_params = [{transform_indices = #map}, {transform_indices = #map}, {transform_indices = #map}, {transform_indices = #map1}, {transform_indices = #map}, {transform_indices = #map}, {transform_indices = #map}, {transform_indices = #map}, {transform_indices = #map}]} {
    %mul3A = arith.constant 2 : i32
    %mul3A_0 = arith.muli %arg1, %mul3A : i32
    %add3A = arith.addi %mul3A_0, %arg0 : i32
    %mul3A_1 = arith.constant 512 : i32
    %mul3A_2 = arith.muli %add3A, %mul3A_1 : i32
    %dma_start3A = tpu.memref_slice %arg2[%mul3A_2] : memref<16384xi32, #tpu.memory_space<hbm>> -> memref<512xi32, #tpu.memory_space<hbm>>
    %dma_start3A_3 = tpu.memref_slice %arg2[%mul3A_2] : memref<16384xi32, #tpu.memory_space<hbm>> -> memref<512xi32, #tpu.memory_space<hbm>>
    tpu.enqueue_dma source(%dma_start3A_3 : memref<512xi32, #tpu.memory_space<hbm>>) target(%arg11 : memref<512xi32, #tpu.memory_space<vmem>>) target_semaphore(%arg20 : memref<!tpu.dma_semaphore, #tpu.memory_space<semaphore_mem>>)
    %dma_start3A_4 = tpu.memref_slice %arg3[%mul3A_2] : memref<16384xi32, #tpu.memory_space<hbm>> -> memref<512xi32, #tpu.memory_space<hbm>>
    %dma_start3A_5 = tpu.memref_slice %arg3[%mul3A_2] : memref<16384xi32, #tpu.memory_space<hbm>> -> memref<512xi32, #tpu.memory_space<hbm>>
    tpu.enqueue_dma source(%dma_start3A_5 : memref<512xi32, #tpu.memory_space<hbm>>) target(%arg12 : memref<512xi32, #tpu.memory_space<vmem>>) target_semaphore(%arg20 : memref<!tpu.dma_semaphore, #tpu.memory_space<semaphore_mem>>)
    %dma_start3A_6 = tpu.memref_slice %arg4[%mul3A_2] : memref<16384xi32, #tpu.memory_space<hbm>> -> memref<512xi32, #tpu.memory_space<hbm>>
    %dma_start3A_7 = tpu.memref_slice %arg4[%mul3A_2] : memref<16384xi32, #tpu.memory_space<hbm>> -> memref<512xi32, #tpu.memory_space<hbm>>
    tpu.enqueue_dma source(%dma_start3A_7 : memref<512xi32, #tpu.memory_space<hbm>>) target(%arg13 : memref<512xi32, #tpu.memory_space<vmem>>) target_semaphore(%arg20 : memref<!tpu.dma_semaphore, #tpu.memory_space<semaphore_mem>>)
    tpu.enqueue_dma source(%arg7 : memref<64xf32, #tpu.memory_space<hbm>>) target(%arg18 : memref<64xf32, #tpu.memory_space<vmem>>) target_semaphore(%arg23 : memref<!tpu.dma_semaphore, #tpu.memory_space<semaphore_mem>>)
    tpu.enqueue_dma source(%arg8 : memref<16xf32, #tpu.memory_space<hbm>>) target(%arg19 : memref<16xf32, #tpu.memory_space<vmem>>) target_semaphore(%arg23 : memref<!tpu.dma_semaphore, #tpu.memory_space<semaphore_mem>>)
    %dma_wait3A = tpu.memref_slice %arg4[%mul3A_2] : memref<16384xi32, #tpu.memory_space<hbm>> -> memref<512xi32, #tpu.memory_space<hbm>>
    %dma_wait3A_8 = tpu.memref_slice %arg4[%mul3A_2] : memref<16384xi32, #tpu.memory_space<hbm>> -> memref<512xi32, #tpu.memory_space<hbm>>
    tpu.wait_dma2 semaphore(%arg20 : memref<!tpu.dma_semaphore, #tpu.memory_space<semaphore_mem>>) src(%dma_wait3A_8 : memref<512xi32, #tpu.memory_space<hbm>>) dst(%arg13 : memref<512xi32, #tpu.memory_space<vmem>>)
    %dma_wait3A_9 = tpu.memref_slice %arg4[%mul3A_2] : memref<16384xi32, #tpu.memory_space<hbm>> -> memref<512xi32, #tpu.memory_space<hbm>>
    %dma_wait3A_10 = tpu.memref_slice %arg4[%mul3A_2] : memref<16384xi32, #tpu.memory_space<hbm>> -> memref<512xi32, #tpu.memory_space<hbm>>
    tpu.wait_dma2 semaphore(%arg20 : memref<!tpu.dma_semaphore, #tpu.memory_space<semaphore_mem>>) src(%dma_wait3A_10 : memref<512xi32, #tpu.memory_space<hbm>>) dst(%arg13 : memref<512xi32, #tpu.memory_space<vmem>>)
    %dma_wait3A_11 = tpu.memref_slice %arg4[%mul3A_2] : memref<16384xi32, #tpu.memory_space<hbm>> -> memref<512xi32, #tpu.memory_space<hbm>>
    %dma_wait3A_12 = tpu.memref_slice %arg4[%mul3A_2] : memref<16384xi32, #tpu.memory_space<hbm>> -> memref<512xi32, #tpu.memory_space<hbm>>
    tpu.wait_dma2 semaphore(%arg20 : memref<!tpu.dma_semaphore, #tpu.memory_space<semaphore_mem>>) src(%dma_wait3A_12 : memref<512xi32, #tpu.memory_space<hbm>>) dst(%arg13 : memref<512xi32, #tpu.memory_space<vmem>>)
    %scan3A = arith.constant 0 : i32
    %scan3A_13 = arith.constant 0 : i32
    %scan3A_14 = arith.constant 32 : i32
    %scan3A_15 = arith.addi %scan3A_13, %scan3A_14 : i32
    %scan3A_16 = arith.constant 1 : i32
    scf.for %scan3A_30 = %scan3A_13 to %scan3A_15 step %scan3A_16  : i32 {
      %mul3A_31 = arith.constant 16 : i32
      %mul3A_32 = arith.muli %scan3A_30, %mul3A_31 : i32
      %multiple_of3A = tpu.assume_multiple %mul3A_32, 16 : i32
      %get3A_33 = arith.index_cast %multiple_of3A : i32 to index
      %get3A_34 = tpu.vector_load %arg12[%get3A_33] {strides = array<i32>} : memref<512xi32, #tpu.memory_space<vmem>>, vector<16xi32>,
      %mul3A_35 = arith.constant 64 : i32
      %mul3A_36 = vector.broadcast %mul3A_35 : i32 to vector<16xi32>
      %mul3A_37 = arith.muli %get3A_34, %mul3A_36 : vector<16xi32>
      %slice3A = vector.extract_strided_slice %mul3A_37 {offsets = [0], sizes = [1], strides = [1]} : vector<16xi32> to vector<1xi32>
      %squeeze3A = vector.extract %slice3A[0] : i32 from vector<1xi32>
      %multiple_of3A_38 = tpu.assume_multiple %squeeze3A, 64 : i32
      %add3A_39 = arith.constant 0 : i32
      %add3A_40 = arith.addi %multiple_of3A, %add3A_39 : i32
      %mul3A_41 = arith.constant 64 : i32
      %mul3A_42 = arith.muli %add3A_40, %mul3A_41 : i32
      %multiple_of3A_43 = tpu.assume_multiple %mul3A_42, 64 : i32
      %dma_start3A_44 = tpu.memref_slice %arg15[%multiple_of3A_43] : memref<32768xf32, #tpu.memory_space<vmem>> -> memref<64xf32, #tpu.memory_space<vmem>>
      %dma_start3A_45 = tpu.memref_slice %arg6[%multiple_of3A_38] : memref<6400000xf32, #tpu.memory_space<hbm>> -> memref<64xf32, #tpu.memory_space<hbm>>
      %dma_start3A_46 = tpu.memref_slice %arg15[%multiple_of3A_43] : memref<32768xf32, #tpu.memory_space<vmem>> -> memref<64xf32, #tpu.memory_space<vmem>>
      %dma_start3A_47 = tpu.memref_slice %arg6[%multiple_of3A_38] : memref<6400000xf32, #tpu.memory_space<hbm>> -> memref<64xf32, #tpu.memory_space<hbm>>
      tpu.enqueue_dma source(%dma_start3A_47 : memref<64xf32, #tpu.memory_space<hbm>>) target(%dma_start3A_46 : memref<64xf32, #tpu.memory_space<vmem>>) target_semaphore(%arg22 : memref<!tpu.dma_semaphore, #tpu.memory_space<semaphore_mem>>)
      %slice3A_48 = vector.extract_strided_slice %mul3A_37 {offsets = [1], sizes = [1], strides = [1]} : vector<16xi32> to vector<1xi32>
      %squeeze3A_49 = vector.extract %slice3A_48[0] : i32 from vector<1xi32>
      %multiple_of3A_50 = tpu.assume_multiple %squeeze3A_49, 64 : i32
      %add3A_51 = arith.constant 1 : i32
      %add3A_52 = arith.addi %multiple_of3A, %add3A_51 : i32
      %mul3A_53 = arith.constant 64 : i32
      %mul3A_54 = arith.muli %add3A_52, %mul3A_53 : i32
      %multiple_of3A_55 = tpu.assume_multiple %mul3A_54, 64 : i32
      %dma_start3A_56 = tpu.memref_slice %arg15[%multiple_of3A_55] : memref<32768xf32, #tpu.memory_space<vmem>> -> memref<64xf32, #tpu.memory_space<vmem>>
      %dma_start3A_57 = tpu.memref_slice %arg6[%multiple_of3A_50] : memref<6400000xf32, #tpu.memory_space<hbm>> -> memref<64xf32, #tpu.memory_space<hbm>>
      %dma_start3A_58 = tpu.memref_slice %arg15[%multiple_of3A_55] : memref<32768xf32, #tpu.memory_space<vmem>> -> memref<64xf32, #tpu.memory_space<vmem>>
      %dma_start3A_59 = tpu.memref_slice %arg6[%multiple_of3A_50] : memref<6400000xf32, #tpu.memory_space<hbm>> -> memref<64xf32, #tpu.memory_space<hbm>>
      tpu.enqueue_dma source(%dma_start3A_59 : memref<64xf32, #tpu.memory_space<hbm>>) target(%dma_start3A_58 : memref<64xf32, #tpu.memory_space<vmem>>) target_semaphore(%arg22 : memref<!tpu.dma_semaphore, #tpu.memory_space<semaphore_mem>>)
      %slice3A_60 = vector.extract_strided_slice %mul3A_37 {offsets = [2], sizes = [1], strides = [1]} : vector<16xi32> to vector<1xi32>
      %squeeze3A_61 = vector.extract %slice3A_60[0] : i32 from vector<1xi32>
      %multiple_of3A_62 = tpu.assume_multiple %squeeze3A_61, 64 : i32
      %add3A_63 = arith.constant 2 : i32
      %add3A_64 = arith.addi %multiple_of3A, %add3A_63 : i32
      %mul3A_65 = arith.constant 64 : i32
      %mul3A_66 = arith.muli %add3A_64, %mul3A_65 : i32
      %multiple_of3A_67 = tpu.assume_multiple %mul3A_66, 64 : i32
      %dma_start3A_68 = tpu.memref_slice %arg15[%multiple_of3A_67] : memref<32768xf32, #tpu.memory_space<vmem>> -> memref<64xf32, #tpu.memory_space<vmem>>
      %dma_start3A_69 = tpu.memref_slice %arg6[%multiple_of3A_62] : memref<6400000xf32, #tpu.memory_space<hbm>> -> memref<64xf32, #tpu.memory_space<hbm>>
      %dma_start3A_70 = tpu.memref_slice %arg15[%multiple_of3A_67] : memref<32768xf32, #tpu.memory_space<vmem>> -> memref<64xf32, #tpu.memory_space<vmem>>
      %dma_start3A_71 = tpu.memref_slice %arg6[%multiple_of3A_62] : memref<6400000xf32, #tpu.memory_space<hbm>> -> memref<64xf32, #tpu.memory_space<hbm>>
      tpu.enqueue_dma source(%dma_start3A_71 : memref<64xf32, #tpu.memory_space<hbm>>) target(%dma_start3A_70 : memref<64xf32, #tpu.memory_space<vmem>>) target_semaphore(%arg22 : memref<!tpu.dma_semaphore, #tpu.memory_space<semaphore_mem>>)
      %slice3A_72 = vector.extract_strided_slice %mul3A_37 {offsets = [3], sizes = [1], strides = [1]} : vector<16xi32> to vector<1xi32>
      %squeeze3A_73 = vector.extract %slice3A_72[0] : i32 from vector<1xi32>
      %multiple_of3A_74 = tpu.assume_multiple %squeeze3A_73, 64 : i32
      %add3A_75 = arith.constant 3 : i32
      %add3A_76 = arith.addi %multiple_of3A, %add3A_75 : i32
      %mul3A_77 = arith.constant 64 : i32
      %mul3A_78 = arith.muli %add3A_76, %mul3A_77 : i32
      %multiple_of3A_79 = tpu.assume_multiple %mul3A_78, 64 : i32
      %dma_start3A_80 = tpu.memref_slice %arg15[%multiple_of3A_79] : memref<32768xf32, #tpu.memory_space<vmem>> -> memref<64xf32, #tpu.memory_space<vmem>>
      %dma_start3A_81 = tpu.memref_slice %arg6[%multiple_of3A_74] : memref<6400000xf32, #tpu.memory_space<hbm>> -> memref<64xf32, #tpu.memory_space<hbm>>
      %dma_start3A_82 = tpu.memref_slice %arg15[%multiple_of3A_79] : memref<32768xf32, #tpu.memory_space<vmem>> -> memref<64xf32, #tpu.memory_space<vmem>>
      %dma_start3A_83 = tpu.memref_slice %arg6[%multiple_of3A_74] : memref<6400000xf32, #tpu.memory_space<hbm>> -> memref<64xf32, #tpu.memory_space<hbm>>
      tpu.enqueue_dma source(%dma_start3A_83 : memref<64xf32, #tpu.memory_space<hbm>>) target(%dma_start3A_82 : memref<64xf32, #tpu.memory_space<vmem>>) target_semaphore(%arg22 : memref<!tpu.dma_semaphore, #tpu.memory_space<semaphore_mem>>)
      %slice3A_84 = vector.extract_strided_slice %mul3A_37 {offsets = [4], sizes = [1], strides = [1]} : vector<16xi32> to vector<1xi32>
      %squeeze3A_85 = vector.extract %slice3A_84[0] : i32 from vector<1xi32>
      %multiple_of3A_86 = tpu.assume_multiple %squeeze3A_85, 64 : i32
      %add3A_87 = arith.constant 4 : i32
      %add3A_88 = arith.addi %multiple_of3A, %add3A_87 : i32
      %mul3A_89 = arith.constant 64 : i32
      %mul3A_90 = arith.muli %add3A_88, %mul3A_89 : i32
      %multiple_of3A_91 = tpu.assume_multiple %mul3A_90, 64 : i32
      %dma_start3A_92 = tpu.memref_slice %arg15[%multiple_of3A_91] : memref<32768xf32, #tpu.memory_space<vmem>> -> memref<64xf32, #tpu.memory_space<vmem>>
      %dma_start3A_93 = tpu.memref_slice %arg6[%multiple_of3A_86] : memref<6400000xf32, #tpu.memory_space<hbm>> -> memref<64xf32, #tpu.memory_space<hbm>>
      %dma_start3A_94 = tpu.memref_slice %arg15[%multiple_of3A_91] : memref<32768xf32, #tpu.memory_space<vmem>> -> memref<64xf32, #tpu.memory_space<vmem>>
      %dma_start3A_95 = tpu.memref_slice %arg6[%multiple_of3A_86] : memref<6400000xf32, #tpu.memory_space<hbm>> -> memref<64xf32, #tpu.memory_space<hbm>>
      tpu.enqueue_dma source(%dma_start3A_95 : memref<64xf32, #tpu.memory_space<hbm>>) target(%dma_start3A_94 : memref<64xf32, #tpu.memory_space<vmem>>) target_semaphore(%arg22 : memref<!tpu.dma_semaphore, #tpu.memory_space<semaphore_mem>>)
      %slice3A_96 = vector.extract_strided_slice %mul3A_37 {offsets = [5], sizes = [1], strides = [1]} : vector<16xi32> to vector<1xi32>
      %squeeze3A_97 = vector.extract %slice3A_96[0] : i32 from vector<1xi32>
      %multiple_of3A_98 = tpu.assume_multiple %squeeze3A_97, 64 : i32
      %add3A_99 = arith.constant 5 : i32
      %add3A_100 = arith.addi %multiple_of3A, %add3A_99 : i32
      %mul3A_101 = arith.constant 64 : i32
      %mul3A_102 = arith.muli %add3A_100, %mul3A_101 : i32
      %multiple_of3A_103 = tpu.assume_multiple %mul3A_102, 64 : i32
      %dma_start3A_104 = tpu.memref_slice %arg15[%multiple_of3A_103] : memref<32768xf32, #tpu.memory_space<vmem>> -> memref<64xf32, #tpu.memory_space<vmem>>
      %dma_start3A_105 = tpu.memref_slice %arg6[%multiple_of3A_98] : memref<6400000xf32, #tpu.memory_space<hbm>> -> memref<64xf32, #tpu.memory_space<hbm>>
      %dma_start3A_106 = tpu.memref_slice %arg15[%multiple_of3A_103] : memref<32768xf32, #tpu.memory_space<vmem>> -> memref<64xf32, #tpu.memory_space<vmem>>
      %dma_start3A_107 = tpu.memref_slice %arg6[%multiple_of3A_98] : memref<6400000xf32, #tpu.memory_space<hbm>> -> memref<64xf32, #tpu.memory_space<hbm>>
      tpu.enqueue_dma source(%dma_start3A_107 : memref<64xf32, #tpu.memory_space<hbm>>) target(%dma_start3A_106 : memref<64xf32, #tpu.memory_space<vmem>>) target_semaphore(%arg22 : memref<!tpu.dma_semaphore, #tpu.memory_space<semaphore_mem>>)
      %slice3A_108 = vector.extract_strided_slice %mul3A_37 {offsets = [6], sizes = [1], strides = [1]} : vector<16xi32> to vector<1xi32>
      %squeeze3A_109 = vector.extract %slice3A_108[0] : i32 from vector<1xi32>
      %multiple_of3A_110 = tpu.assume_multiple %squeeze3A_109, 64 : i32
      %add3A_111 = arith.constant 6 : i32
      %add3A_112 = arith.addi %multiple_of3A, %add3A_111 : i32
      %mul3A_113 = arith.constant 64 : i32
      %mul3A_114 = arith.muli %add3A_112, %mul3A_113 : i32
      %multiple_of3A_115 = tpu.assume_multiple %mul3A_114, 64 : i32
      %dma_start3A_116 = tpu.memref_slice %arg15[%multiple_of3A_115] : memref<32768xf32, #tpu.memory_space<vmem>> -> memref<64xf32, #tpu.memory_space<vmem>>
      %dma_start3A_117 = tpu.memref_slice %arg6[%multiple_of3A_110] : memref<6400000xf32, #tpu.memory_space<hbm>> -> memref<64xf32, #tpu.memory_space<hbm>>
      %dma_start3A_118 = tpu.memref_slice %arg15[%multiple_of3A_115] : memref<32768xf32, #tpu.memory_space<vmem>> -> memref<64xf32, #tpu.memory_space<vmem>>
      %dma_start3A_119 = tpu.memref_slice %arg6[%multiple_of3A_110] : memref<6400000xf32, #tpu.memory_space<hbm>> -> memref<64xf32, #tpu.memory_space<hbm>>
      tpu.enqueue_dma source(%dma_start3A_119 : memref<64xf32, #tpu.memory_space<hbm>>) target(%dma_start3A_118 : memref<64xf32, #tpu.memory_space<vmem>>) target_semaphore(%arg22 : memref<!tpu.dma_semaphore, #tpu.memory_space<semaphore_mem>>)
      %slice3A_120 = vector.extract_strided_slice %mul3A_37 {offsets = [7], sizes = [1], strides = [1]} : vector<16xi32> to vector<1xi32>
      %squeeze3A_121 = vector.extract %slice3A_120[0] : i32 from vector<1xi32>
      %multiple_of3A_122 = tpu.assume_multiple %squeeze3A_121, 64 : i32
      %add3A_123 = arith.constant 7 : i32
      %add3A_124 = arith.addi %multiple_of3A, %add3A_123 : i32
      %mul3A_125 = arith.constant 64 : i32
      %mul3A_126 = arith.muli %add3A_124, %mul3A_125 : i32
      %multiple_of3A_127 = tpu.assume_multiple %mul3A_126, 64 : i32
      %dma_start3A_128 = tpu.memref_slice %arg15[%multiple_of3A_127] : memref<32768xf32, #tpu.memory_space<vmem>> -> memref<64xf32, #tpu.memory_space<vmem>>
      %dma_start3A_129 = tpu.memref_slice %arg6[%multiple_of3A_122] : memref<6400000xf32, #tpu.memory_space<hbm>> -> memref<64xf32, #tpu.memory_space<hbm>>
      %dma_start3A_130 = tpu.memref_slice %arg15[%multiple_of3A_127] : memref<32768xf32, #tpu.memory_space<vmem>> -> memref<64xf32, #tpu.memory_space<vmem>>
      %dma_start3A_131 = tpu.memref_slice %arg6[%multiple_of3A_122] : memref<6400000xf32, #tpu.memory_space<hbm>> -> memref<64xf32, #tpu.memory_space<hbm>>
      tpu.enqueue_dma source(%dma_start3A_131 : memref<64xf32, #tpu.memory_space<hbm>>) target(%dma_start3A_130 : memref<64xf32, #tpu.memory_space<vmem>>) target_semaphore(%arg22 : memref<!tpu.dma_semaphore, #tpu.memory_space<semaphore_mem>>)
      %slice3A_132 = vector.extract_strided_slice %mul3A_37 {offsets = [8], sizes = [1], strides = [1]} : vector<16xi32> to vector<1xi32>
      %squeeze3A_133 = vector.extract %slice3A_132[0] : i32 from vector<1xi32>
      %multiple_of3A_134 = tpu.assume_multiple %squeeze3A_133, 64 : i32
      %add3A_135 = arith.constant 8 : i32
      %add3A_136 = arith.addi %multiple_of3A, %add3A_135 : i32
      %mul3A_137 = arith.constant 64 : i32
      %mul3A_138 = arith.muli %add3A_136, %mul3A_137 : i32
      %multiple_of3A_139 = tpu.assume_multiple %mul3A_138, 64 : i32
      %dma_start3A_140 = tpu.memref_slice %arg15[%multiple_of3A_139] : memref<32768xf32, #tpu.memory_space<vmem>> -> memref<64xf32, #tpu.memory_space<vmem>>
      %dma_start3A_141 = tpu.memref_slice %arg6[%multiple_of3A_134] : memref<6400000xf32, #tpu.memory_space<hbm>> -> memref<64xf32, #tpu.memory_space<hbm>>
      %dma_start3A_142 = tpu.memref_slice %arg15[%multiple_of3A_139] : memref<32768xf32, #tpu.memory_space<vmem>> -> memref<64xf32, #tpu.memory_space<vmem>>
      %dma_start3A_143 = tpu.memref_slice %arg6[%multiple_of3A_134] : memref<6400000xf32, #tpu.memory_space<hbm>> -> memref<64xf32, #tpu.memory_space<hbm>>
      tpu.enqueue_dma source(%dma_start3A_143 : memref<64xf32, #tpu.memory_space<hbm>>) target(%dma_start3A_142 : memref<64xf32, #tpu.memory_space<vmem>>) target_semaphore(%arg22 : memref<!tpu.dma_semaphore, #tpu.memory_space<semaphore_mem>>)
      %slice3A_144 = vector.extract_strided_slice %mul3A_37 {offsets = [9], sizes = [1], strides = [1]} : vector<16xi32> to vector<1xi32>
      %squeeze3A_145 = vector.extract %slice3A_144[0] : i32 from vector<1xi32>
      %multiple_of3A_146 = tpu.assume_multiple %squeeze3A_145, 64 : i32
      %add3A_147 = arith.constant 9 : i32
      %add3A_148 = arith.addi %multiple_of3A, %add3A_147 : i32
      %mul3A_149 = arith.constant 64 : i32
      %mul3A_150 = arith.muli %add3A_148, %mul3A_149 : i32
      %multiple_of3A_151 = tpu.assume_multiple %mul3A_150, 64 : i32
      %dma_start3A_152 = tpu.memref_slice %arg15[%multiple_of3A_151] : memref<32768xf32, #tpu.memory_space<vmem>> -> memref<64xf32, #tpu.memory_space<vmem>>
      %dma_start3A_153 = tpu.memref_slice %arg6[%multiple_of3A_146] : memref<6400000xf32, #tpu.memory_space<hbm>> -> memref<64xf32, #tpu.memory_space<hbm>>
      %dma_start3A_154 = tpu.memref_slice %arg15[%multiple_of3A_151] : memref<32768xf32, #tpu.memory_space<vmem>> -> memref<64xf32, #tpu.memory_space<vmem>>
      %dma_start3A_155 = tpu.memref_slice %arg6[%multiple_of3A_146] : memref<6400000xf32, #tpu.memory_space<hbm>> -> memref<64xf32, #tpu.memory_space<hbm>>
      tpu.enqueue_dma source(%dma_start3A_155 : memref<64xf32, #tpu.memory_space<hbm>>) target(%dma_start3A_154 : memref<64xf32, #tpu.memory_space<vmem>>) target_semaphore(%arg22 : memref<!tpu.dma_semaphore, #tpu.memory_space<semaphore_mem>>)
      %slice3A_156 = vector.extract_strided_slice %mul3A_37 {offsets = [10], sizes = [1], strides = [1]} : vector<16xi32> to vector<1xi32>
      %squeeze3A_157 = vector.extract %slice3A_156[0] : i32 from vector<1xi32>
      %multiple_of3A_158 = tpu.assume_multiple %squeeze3A_157, 64 : i32
      %add3A_159 = arith.constant 10 : i32
      %add3A_160 = arith.addi %multiple_of3A, %add3A_159 : i32
      %mul3A_161 = arith.constant 64 : i32
      %mul3A_162 = arith.muli %add3A_160, %mul3A_161 : i32
      %multiple_of3A_163 = tpu.assume_multiple %mul3A_162, 64 : i32
      %dma_start3A_164 = tpu.memref_slice %arg15[%multiple_of3A_163] : memref<32768xf32, #tpu.memory_space<vmem>> -> memref<64xf32, #tpu.memory_space<vmem>>
      %dma_start3A_165 = tpu.memref_slice %arg6[%multiple_of3A_158] : memref<6400000xf32, #tpu.memory_space<hbm>> -> memref<64xf32, #tpu.memory_space<hbm>>
      %dma_start3A_166 = tpu.memref_slice %arg15[%multiple_of3A_163] : memref<32768xf32, #tpu.memory_space<vmem>> -> memref<64xf32, #tpu.memory_space<vmem>>
      %dma_start3A_167 = tpu.memref_slice %arg6[%multiple_of3A_158] : memref<6400000xf32, #tpu.memory_space<hbm>> -> memref<64xf32, #tpu.memory_space<hbm>>
      tpu.enqueue_dma source(%dma_start3A_167 : memref<64xf32, #tpu.memory_space<hbm>>) target(%dma_start3A_166 : memref<64xf32, #tpu.memory_space<vmem>>) target_semaphore(%arg22 : memref<!tpu.dma_semaphore, #tpu.memory_space<semaphore_mem>>)
      %slice3A_168 = vector.extract_strided_slice %mul3A_37 {offsets = [11], sizes = [1], strides = [1]} : vector<16xi32> to vector<1xi32>
      %squeeze3A_169 = vector.extract %slice3A_168[0] : i32 from vector<1xi32>
      %multiple_of3A_170 = tpu.assume_multiple %squeeze3A_169, 64 : i32
      %add3A_171 = arith.constant 11 : i32
      %add3A_172 = arith.addi %multiple_of3A, %add3A_171 : i32
      %mul3A_173 = arith.constant 64 : i32
      %mul3A_174 = arith.muli %add3A_172, %mul3A_173 : i32
      %multiple_of3A_175 = tpu.assume_multiple %mul3A_174, 64 : i32
      %dma_start3A_176 = tpu.memref_slice %arg15[%multiple_of3A_175] : memref<32768xf32, #tpu.memory_space<vmem>> -> memref<64xf32, #tpu.memory_space<vmem>>
      %dma_start3A_177 = tpu.memref_slice %arg6[%multiple_of3A_170] : memref<6400000xf32, #tpu.memory_space<hbm>> -> memref<64xf32, #tpu.memory_space<hbm>>
      %dma_start3A_178 = tpu.memref_slice %arg15[%multiple_of3A_175] : memref<32768xf32, #tpu.memory_space<vmem>> -> memref<64xf32, #tpu.memory_space<vmem>>
      %dma_start3A_179 = tpu.memref_slice %arg6[%multiple_of3A_170] : memref<6400000xf32, #tpu.memory_space<hbm>> -> memref<64xf32, #tpu.memory_space<hbm>>
      tpu.enqueue_dma source(%dma_start3A_179 : memref<64xf32, #tpu.memory_space<hbm>>) target(%dma_start3A_178 : memref<64xf32, #tpu.memory_space<vmem>>) target_semaphore(%arg22 : memref<!tpu.dma_semaphore, #tpu.memory_space<semaphore_mem>>)
      %slice3A_180 = vector.extract_strided_slice %mul3A_37 {offsets = [12], sizes = [1], strides = [1]} : vector<16xi32> to vector<1xi32>
      %squeeze3A_181 = vector.extract %slice3A_180[0] : i32 from vector<1xi32>
      %multiple_of3A_182 = tpu.assume_multiple %squeeze3A_181, 64 : i32
      %add3A_183 = arith.constant 12 : i32
      %add3A_184 = arith.addi %multiple_of3A, %add3A_183 : i32
      %mul3A_185 = arith.constant 64 : i32
      %mul3A_186 = arith.muli %add3A_184, %mul3A_185 : i32
      %multiple_of3A_187 = tpu.assume_multiple %mul3A_186, 64 : i32
      %dma_start3A_188 = tpu.memref_slice %arg15[%multiple_of3A_187] : memref<32768xf32, #tpu.memory_space<vmem>> -> memref<64xf32, #tpu.memory_space<vmem>>
      %dma_start3A_189 = tpu.memref_slice %arg6[%multiple_of3A_182] : memref<6400000xf32, #tpu.memory_space<hbm>> -> memref<64xf32, #tpu.memory_space<hbm>>
      %dma_start3A_190 = tpu.memref_slice %arg15[%multiple_of3A_187] : memref<32768xf32, #tpu.memory_space<vmem>> -> memref<64xf32, #tpu.memory_space<vmem>>
      %dma_start3A_191 = tpu.memref_slice %arg6[%multiple_of3A_182] : memref<6400000xf32, #tpu.memory_space<hbm>> -> memref<64xf32, #tpu.memory_space<hbm>>
      tpu.enqueue_dma source(%dma_start3A_191 : memref<64xf32, #tpu.memory_space<hbm>>) target(%dma_start3A_190 : memref<64xf32, #tpu.memory_space<vmem>>) target_semaphore(%arg22 : memref<!tpu.dma_semaphore, #tpu.memory_space<semaphore_mem>>)
      %slice3A_192 = vector.extract_strided_slice %mul3A_37 {offsets = [13], sizes = [1], strides = [1]} : vector<16xi32> to vector<1xi32>
      %squeeze3A_193 = vector.extract %slice3A_192[0] : i32 from vector<1xi32>
      %multiple_of3A_194 = tpu.assume_multiple %squeeze3A_193, 64 : i32
      %add3A_195 = arith.constant 13 : i32
      %add3A_196 = arith.addi %multiple_of3A, %add3A_195 : i32
      %mul3A_197 = arith.constant 64 : i32
      %mul3A_198 = arith.muli %add3A_196, %mul3A_197 : i32
      %multiple_of3A_199 = tpu.assume_multiple %mul3A_198, 64 : i32
      %dma_start3A_200 = tpu.memref_slice %arg15[%multiple_of3A_199] : memref<32768xf32, #tpu.memory_space<vmem>> -> memref<64xf32, #tpu.memory_space<vmem>>
      %dma_start3A_201 = tpu.memref_slice %arg6[%multiple_of3A_194] : memref<6400000xf32, #tpu.memory_space<hbm>> -> memref<64xf32, #tpu.memory_space<hbm>>
      %dma_start3A_202 = tpu.memref_slice %arg15[%multiple_of3A_199] : memref<32768xf32, #tpu.memory_space<vmem>> -> memref<64xf32, #tpu.memory_space<vmem>>
      %dma_start3A_203 = tpu.memref_slice %arg6[%multiple_of3A_194] : memref<6400000xf32, #tpu.memory_space<hbm>> -> memref<64xf32, #tpu.memory_space<hbm>>
      tpu.enqueue_dma source(%dma_start3A_203 : memref<64xf32, #tpu.memory_space<hbm>>) target(%dma_start3A_202 : memref<64xf32, #tpu.memory_space<vmem>>) target_semaphore(%arg22 : memref<!tpu.dma_semaphore, #tpu.memory_space<semaphore_mem>>)
      %slice3A_204 = vector.extract_strided_slice %mul3A_37 {offsets = [14], sizes = [1], strides = [1]} : vector<16xi32> to vector<1xi32>
      %squeeze3A_205 = vector.extract %slice3A_204[0] : i32 from vector<1xi32>
      %multiple_of3A_206 = tpu.assume_multiple %squeeze3A_205, 64 : i32
      %add3A_207 = arith.constant 14 : i32
      %add3A_208 = arith.addi %multiple_of3A, %add3A_207 : i32
      %mul3A_209 = arith.constant 64 : i32
      %mul3A_210 = arith.muli %add3A_208, %mul3A_209 : i32
      %multiple_of3A_211 = tpu.assume_multiple %mul3A_210, 64 : i32
      %dma_start3A_212 = tpu.memref_slice %arg15[%multiple_of3A_211] : memref<32768xf32, #tpu.memory_space<vmem>> -> memref<64xf32, #tpu.memory_space<vmem>>
      %dma_start3A_213 = tpu.memref_slice %arg6[%multiple_of3A_206] : memref<6400000xf32, #tpu.memory_space<hbm>> -> memref<64xf32, #tpu.memory_space<hbm>>
      %dma_start3A_214 = tpu.memref_slice %arg15[%multiple_of3A_211] : memref<32768xf32, #tpu.memory_space<vmem>> -> memref<64xf32, #tpu.memory_space<vmem>>
      %dma_start3A_215 = tpu.memref_slice %arg6[%multiple_of3A_206] : memref<6400000xf32, #tpu.memory_space<hbm>> -> memref<64xf32, #tpu.memory_space<hbm>>
      tpu.enqueue_dma source(%dma_start3A_215 : memref<64xf32, #tpu.memory_space<hbm>>) target(%dma_start3A_214 : memref<64xf32, #tpu.memory_space<vmem>>) target_semaphore(%arg22 : memref<!tpu.dma_semaphore, #tpu.memory_space<semaphore_mem>>)
      %slice3A_216 = vector.extract_strided_slice %mul3A_37 {offsets = [15], sizes = [1], strides = [1]} : vector<16xi32> to vector<1xi32>
      %squeeze3A_217 = vector.extract %slice3A_216[0] : i32 from vector<1xi32>
      %multiple_of3A_218 = tpu.assume_multiple %squeeze3A_217, 64 : i32
      %add3A_219 = arith.constant 15 : i32
      %add3A_220 = arith.addi %multiple_of3A, %add3A_219 : i32
      %mul3A_221 = arith.constant 64 : i32
      %mul3A_222 = arith.muli %add3A_220, %mul3A_221 : i32
      %multiple_of3A_223 = tpu.assume_multiple %mul3A_222, 64 : i32
      %dma_start3A_224 = tpu.memref_slice %arg15[%multiple_of3A_223] : memref<32768xf32, #tpu.memory_space<vmem>> -> memref<64xf32, #tpu.memory_space<vmem>>
      %dma_start3A_225 = tpu.memref_slice %arg6[%multiple_of3A_218] : memref<6400000xf32, #tpu.memory_space<hbm>> -> memref<64xf32, #tpu.memory_space<hbm>>
      %dma_start3A_226 = tpu.memref_slice %arg15[%multiple_of3A_223] : memref<32768xf32, #tpu.memory_space<vmem>> -> memref<64xf32, #tpu.memory_space<vmem>>
      %dma_start3A_227 = tpu.memref_slice %arg6[%multiple_of3A_218] : memref<6400000xf32, #tpu.memory_space<hbm>> -> memref<64xf32, #tpu.memory_space<hbm>>
      tpu.enqueue_dma source(%dma_start3A_227 : memref<64xf32, #tpu.memory_space<hbm>>) target(%dma_start3A_226 : memref<64xf32, #tpu.memory_space<vmem>>) target_semaphore(%arg22 : memref<!tpu.dma_semaphore, #tpu.memory_space<semaphore_mem>>)
    }
    %scan3A_17 = arith.constant 32 : i32
    %dma_wait3A_18 = arith.constant 0 : i32
    %dma_wait3A_19 = tpu.memref_slice %arg6[%dma_wait3A_18] : memref<6400000xf32, #tpu.memory_space<hbm>> -> memref<32768xf32, #tpu.memory_space<hbm>>
    %dma_wait3A_20 = arith.constant 0 : i32
    %dma_wait3A_21 = tpu.memref_slice %arg6[%dma_wait3A_20] : memref<6400000xf32, #tpu.memory_space<hbm>> -> memref<32768xf32, #tpu.memory_space<hbm>>
    tpu.wait_dma2 semaphore(%arg22 : memref<!tpu.dma_semaphore, #tpu.memory_space<semaphore_mem>>) src(%dma_wait3A_21 : memref<32768xf32, #tpu.memory_space<hbm>>) dst(%arg15 : memref<32768xf32, #tpu.memory_space<vmem>>)
    tpu.wait_dma2 semaphore(%arg23 : memref<!tpu.dma_semaphore, #tpu.memory_space<semaphore_mem>>) src(%arg7 : memref<64xf32, #tpu.memory_space<hbm>>) dst(%arg18 : memref<64xf32, #tpu.memory_space<vmem>>)
    tpu.wait_dma2 semaphore(%arg23 : memref<!tpu.dma_semaphore, #tpu.memory_space<semaphore_mem>>) src(%arg8 : memref<16xf32, #tpu.memory_space<hbm>>) dst(%arg19 : memref<16xf32, #tpu.memory_space<vmem>>)
    %get3A = arith.constant 0 : index
    %get3A_22 = tpu.vector_load %arg19[%get3A] {strides = array<i32>} : memref<16xf32, #tpu.memory_space<vmem>>, vector<16xf32>,
    %broadcast_in_dim3A = arith.constant 0.000000e+00 : f32
    %broadcast_in_dim3A_23 = vector.broadcast %broadcast_in_dim3A : f32 to vector<16xf32>
    %iota3A = tpu.iota {dimensions = array<i32: 0>} : vector<16xi32>
    %scan3A_24 = arith.constant 0 : i32
    %scan3A_25 = arith.constant 0 : i32
    %scan3A_26 = arith.constant 5 : i32
    %scan3A_27 = arith.addi %scan3A_25, %scan3A_26 : i32
    %scan3A_28 = arith.constant 1 : i32
    scf.for %scan3A_30 = %scan3A_25 to %scan3A_27 step %scan3A_28  : i32 {
      %ge3A = arith.constant 1 : i32
      %ge3A_31 = arith.cmpi sge, %scan3A_30, %ge3A : i32
      %convert_element_type3A = arith.extui %ge3A_31 : i1 to i32
      %cond3A = arith.constant 0 : i32
      %cond3A_32 = arith.cmpi ne, %convert_element_type3A, %cond3A : i32
      scf.if %cond3A_32 {
        %dma_wait3A_42 = arith.constant 0 : i32
        %dma_wait3A_43 = tpu.memref_slice %arg15[%dma_wait3A_42] : memref<32768xf32, #tpu.memory_space<vmem>> -> memref<16384xf32, #tpu.memory_space<vmem>>
        %dma_wait3A_44 = arith.constant 0 : i32
        %dma_wait3A_45 = tpu.memref_slice %arg6[%dma_wait3A_44] : memref<6400000xf32, #tpu.memory_space<hbm>> -> memref<16384xf32, #tpu.memory_space<hbm>>
        %dma_wait3A_46 = arith.constant 0 : i32
        %dma_wait3A_47 = tpu.memref_slice %arg15[%dma_wait3A_46] : memref<32768xf32, #tpu.memory_space<vmem>> -> memref<16384xf32, #tpu.memory_space<vmem>>
        %dma_wait3A_48 = arith.constant 0 : i32
        %dma_wait3A_49 = tpu.memref_slice %arg6[%dma_wait3A_48] : memref<6400000xf32, #tpu.memory_space<hbm>> -> memref<16384xf32, #tpu.memory_space<hbm>>
        tpu.wait_dma2 semaphore(%arg21 : memref<!tpu.dma_semaphore, #tpu.memory_space<semaphore_mem>>) src(%dma_wait3A_49 : memref<16384xf32, #tpu.memory_space<hbm>>) dst(%dma_wait3A_47 : memref<16384xf32, #tpu.memory_space<vmem>>)
        %dma_wait3A_50 = arith.constant 0 : i32
        %dma_wait3A_51 = tpu.memref_slice %arg15[%dma_wait3A_50] : memref<32768xf32, #tpu.memory_space<vmem>> -> memref<16384xf32, #tpu.memory_space<vmem>>
        %dma_wait3A_52 = arith.constant 0 : i32
        %dma_wait3A_53 = tpu.memref_slice %arg6[%dma_wait3A_52] : memref<6400000xf32, #tpu.memory_space<hbm>> -> memref<16384xf32, #tpu.memory_space<hbm>>
        %dma_wait3A_54 = arith.constant 0 : i32
        %dma_wait3A_55 = tpu.memref_slice %arg15[%dma_wait3A_54] : memref<32768xf32, #tpu.memory_space<vmem>> -> memref<16384xf32, #tpu.memory_space<vmem>>
        %dma_wait3A_56 = arith.constant 0 : i32
        %dma_wait3A_57 = tpu.memref_slice %arg6[%dma_wait3A_56] : memref<6400000xf32, #tpu.memory_space<hbm>> -> memref<16384xf32, #tpu.memory_space<hbm>>
        tpu.wait_dma2 semaphore(%arg21 : memref<!tpu.dma_semaphore, #tpu.memory_space<semaphore_mem>>) src(%dma_wait3A_57 : memref<16384xf32, #tpu.memory_space<hbm>>) dst(%dma_wait3A_55 : memref<16384xf32, #tpu.memory_space<vmem>>)
      } else {
      }
      %lt3A = arith.constant 4 : i32
      %lt3A_33 = arith.cmpi slt, %scan3A_30, %lt3A : i32
      %convert_element_type3A_34 = arith.extui %lt3A_33 : i1 to i32
      %cond3A_35 = arith.constant 0 : i32
      %cond3A_36 = arith.cmpi ne, %convert_element_type3A_34, %cond3A_35 : i32
      scf.if %cond3A_36 {
        %lt3A_42 = arith.constant 2 : i32
        %lt3A_43 = arith.cmpi slt, %scan3A_30, %lt3A_42 : i32
        %broadcast_in_dim3A_44 = vector.broadcast %lt3A_43 : i1 to vector<16xi1>
        %and3A = arith.constant 1 : i32
        %and3A_45 = arith.andi %scan3A_30, %and3A : i32
        %mul3A_46 = arith.constant 256 : i32
        %mul3A_47 = arith.muli %and3A_45, %mul3A_46 : i32
        %and3A_48 = arith.constant 1 : i32
        %and3A_49 = arith.andi %scan3A_30, %and3A_48 : i32
        %scan3A_50 = arith.constant 0 : i32
        %scan3A_51 = arith.constant 0 : i32
        %scan3A_52 = arith.constant 16 : i32
        %scan3A_53 = arith.addi %scan3A_51, %scan3A_52 : i32
        %scan3A_54 = arith.constant 1 : i32
        scf.for %scan3A_56 = %scan3A_51 to %scan3A_53 step %scan3A_54  : i32 {
          %mul3A_57 = arith.constant 16 : i32
          %mul3A_58 = arith.muli %scan3A_56, %mul3A_57 : i32
          %multiple_of3A = tpu.assume_multiple %mul3A_58, 16 : i32
          %add3A_59 = arith.addi %mul3A_47, %multiple_of3A : i32
          %get3A_60 = arith.index_cast %add3A_59 : i32 to index
          %get3A_61 = tpu.vector_load %arg11[%get3A_60] {strides = array<i32>} : memref<512xi32, #tpu.memory_space<vmem>>, vector<16xi32>,
          %get3A_62 = arith.index_cast %add3A_59 : i32 to index
          %get3A_63 = tpu.vector_load %arg13[%get3A_62] {strides = array<i32>} : memref<512xi32, #tpu.memory_space<vmem>>, vector<16xi32>,
          %select_n3A = arith.select %broadcast_in_dim3A_44, %get3A_61, %get3A_63 : vector<16xi1>, vector<16xi32>
          %slice3A = vector.extract_strided_slice %select_n3A {offsets = [0], sizes = [1], strides = [1]} : vector<16xi32> to vector<1xi32>
          %squeeze3A = vector.extract %slice3A[0] : i32 from vector<1xi32>
          %add3A_64 = arith.constant 0 : i32
          %add3A_65 = arith.addi %multiple_of3A, %add3A_64 : i32
          %dma_start3A_66 = arith.constant 0 : i32
          %dma_start3A_67 = tpu.memref_slice %arg14[%and3A_49, %add3A_65, %dma_start3A_66] : memref<2x256x64xf32, #tpu.memory_space<vmem>> -> memref<1x1x64xf32, #tpu.memory_space<vmem>>
          %dma_start3A_68 = tpu.memref_squeeze %dma_start3A_67 : memref<1x1x64xf32, #tpu.memory_space<vmem>> -> memref<64xf32, #tpu.memory_space<vmem>>
          %dma_start3A_69 = arith.constant 0 : i32
          %dma_start3A_70 = tpu.memref_slice %arg5[%squeeze3A, %dma_start3A_69] : memref<1000000x64xf32, #tpu.memory_space<hbm>> -> memref<1x64xf32, #tpu.memory_space<hbm>>
          %dma_start3A_71 = tpu.memref_squeeze %dma_start3A_70 : memref<1x64xf32, #tpu.memory_space<hbm>> -> memref<64xf32, #tpu.memory_space<hbm>>
          %dma_start3A_72 = arith.constant 0 : i32
          %dma_start3A_73 = tpu.memref_slice %arg14[%and3A_49, %add3A_65, %dma_start3A_72] : memref<2x256x64xf32, #tpu.memory_space<vmem>> -> memref<1x1x64xf32, #tpu.memory_space<vmem>>
          %dma_start3A_74 = tpu.memref_squeeze %dma_start3A_73 : memref<1x1x64xf32, #tpu.memory_space<vmem>> -> memref<64xf32, #tpu.memory_space<vmem>>
          %dma_start3A_75 = arith.constant 0 : i32
          %dma_start3A_76 = tpu.memref_slice %arg5[%squeeze3A, %dma_start3A_75] : memref<1000000x64xf32, #tpu.memory_space<hbm>> -> memref<1x64xf32, #tpu.memory_space<hbm>>
          %dma_start3A_77 = tpu.memref_squeeze %dma_start3A_76 : memref<1x64xf32, #tpu.memory_space<hbm>> -> memref<64xf32, #tpu.memory_space<hbm>>
          tpu.enqueue_dma source(%dma_start3A_77 : memref<64xf32, #tpu.memory_space<hbm>>) target(%dma_start3A_74 : memref<64xf32, #tpu.memory_space<vmem>>) target_semaphore(%arg21 : memref<!tpu.dma_semaphore, #tpu.memory_space<semaphore_mem>>)
          %slice3A_78 = vector.extract_strided_slice %select_n3A {offsets = [1], sizes = [1], strides = [1]} : vector<16xi32> to vector<1xi32>
          %squeeze3A_79 = vector.extract %slice3A_78[0] : i32 from vector<1xi32>
          %add3A_80 = arith.constant 1 : i32
          %add3A_81 = arith.addi %multiple_of3A, %add3A_80 : i32
          %dma_start3A_82 = arith.constant 0 : i32
          %dma_start3A_83 = tpu.memref_slice %arg14[%and3A_49, %add3A_81, %dma_start3A_82] : memref<2x256x64xf32, #tpu.memory_space<vmem>> -> memref<1x1x64xf32, #tpu.memory_space<vmem>>
          %dma_start3A_84 = tpu.memref_squeeze %dma_start3A_83 : memref<1x1x64xf32, #tpu.memory_space<vmem>> -> memref<64xf32, #tpu.memory_space<vmem>>
          %dma_start3A_85 = arith.constant 0 : i32
          %dma_start3A_86 = tpu.memref_slice %arg5[%squeeze3A_79, %dma_start3A_85] : memref<1000000x64xf32, #tpu.memory_space<hbm>> -> memref<1x64xf32, #tpu.memory_space<hbm>>
          %dma_start3A_87 = tpu.memref_squeeze %dma_start3A_86 : memref<1x64xf32, #tpu.memory_space<hbm>> -> memref<64xf32, #tpu.memory_space<hbm>>
          %dma_start3A_88 = arith.constant 0 : i32
          %dma_start3A_89 = tpu.memref_slice %arg14[%and3A_49, %add3A_81, %dma_start3A_88] : memref<2x256x64xf32, #tpu.memory_space<vmem>> -> memref<1x1x64xf32, #tpu.memory_space<vmem>>
          %dma_start3A_90 = tpu.memref_squeeze %dma_start3A_89 : memref<1x1x64xf32, #tpu.memory_space<vmem>> -> memref<64xf32, #tpu.memory_space<vmem>>
          %dma_start3A_91 = arith.constant 0 : i32
          %dma_start3A_92 = tpu.memref_slice %arg5[%squeeze3A_79, %dma_start3A_91] : memref<1000000x64xf32, #tpu.memory_space<hbm>> -> memref<1x64xf32, #tpu.memory_space<hbm>>
          %dma_start3A_93 = tpu.memref_squeeze %dma_start3A_92 : memref<1x64xf32, #tpu.memory_space<hbm>> -> memref<64xf32, #tpu.memory_space<hbm>>
          tpu.enqueue_dma source(%dma_start3A_93 : memref<64xf32, #tpu.memory_space<hbm>>) target(%dma_start3A_90 : memref<64xf32, #tpu.memory_space<vmem>>) target_semaphore(%arg21 : memref<!tpu.dma_semaphore, #tpu.memory_space<semaphore_mem>>)
          %slice3A_94 = vector.extract_strided_slice %select_n3A {offsets = [2], sizes = [1], strides = [1]} : vector<16xi32> to vector<1xi32>
          %squeeze3A_95 = vector.extract %slice3A_94[0] : i32 from vector<1xi32>
          %add3A_96 = arith.constant 2 : i32
          %add3A_97 = arith.addi %multiple_of3A, %add3A_96 : i32
          %dma_start3A_98 = arith.constant 0 : i32
          %dma_start3A_99 = tpu.memref_slice %arg14[%and3A_49, %add3A_97, %dma_start3A_98] : memref<2x256x64xf32, #tpu.memory_space<vmem>> -> memref<1x1x64xf32, #tpu.memory_space<vmem>>
          %dma_start3A_100 = tpu.memref_squeeze %dma_start3A_99 : memref<1x1x64xf32, #tpu.memory_space<vmem>> -> memref<64xf32, #tpu.memory_space<vmem>>
          %dma_start3A_101 = arith.constant 0 : i32
          %dma_start3A_102 = tpu.memref_slice %arg5[%squeeze3A_95, %dma_start3A_101] : memref<1000000x64xf32, #tpu.memory_space<hbm>> -> memref<1x64xf32, #tpu.memory_space<hbm>>
          %dma_start3A_103 = tpu.memref_squeeze %dma_start3A_102 : memref<1x64xf32, #tpu.memory_space<hbm>> -> memref<64xf32, #tpu.memory_space<hbm>>
          %dma_start3A_104 = arith.constant 0 : i32
          %dma_start3A_105 = tpu.memref_slice %arg14[%and3A_49, %add3A_97, %dma_start3A_104] : memref<2x256x64xf32, #tpu.memory_space<vmem>> -> memref<1x1x64xf32, #tpu.memory_space<vmem>>
          %dma_start3A_106 = tpu.memref_squeeze %dma_start3A_105 : memref<1x1x64xf32, #tpu.memory_space<vmem>> -> memref<64xf32, #tpu.memory_space<vmem>>
          %dma_start3A_107 = arith.constant 0 : i32
          %dma_start3A_108 = tpu.memref_slice %arg5[%squeeze3A_95, %dma_start3A_107] : memref<1000000x64xf32, #tpu.memory_space<hbm>> -> memref<1x64xf32, #tpu.memory_space<hbm>>
          %dma_start3A_109 = tpu.memref_squeeze %dma_start3A_108 : memref<1x64xf32, #tpu.memory_space<hbm>> -> memref<64xf32, #tpu.memory_space<hbm>>
          tpu.enqueue_dma source(%dma_start3A_109 : memref<64xf32, #tpu.memory_space<hbm>>) target(%dma_start3A_106 : memref<64xf32, #tpu.memory_space<vmem>>) target_semaphore(%arg21 : memref<!tpu.dma_semaphore, #tpu.memory_space<semaphore_mem>>)
          %slice3A_110 = vector.extract_strided_slice %select_n3A {offsets = [3], sizes = [1], strides = [1]} : vector<16xi32> to vector<1xi32>
          %squeeze3A_111 = vector.extract %slice3A_110[0] : i32 from vector<1xi32>
          %add3A_112 = arith.constant 3 : i32
          %add3A_113 = arith.addi %multiple_of3A, %add3A_112 : i32
          %dma_start3A_114 = arith.constant 0 : i32
          %dma_start3A_115 = tpu.memref_slice %arg14[%and3A_49, %add3A_113, %dma_start3A_114] : memref<2x256x64xf32, #tpu.memory_space<vmem>> -> memref<1x1x64xf32, #tpu.memory_space<vmem>>
          %dma_start3A_116 = tpu.memref_squeeze %dma_start3A_115 : memref<1x1x64xf32, #tpu.memory_space<vmem>> -> memref<64xf32, #tpu.memory_space<vmem>>
          %dma_start3A_117 = arith.constant 0 : i32
          %dma_start3A_118 = tpu.memref_slice %arg5[%squeeze3A_111, %dma_start3A_117] : memref<1000000x64xf32, #tpu.memory_space<hbm>> -> memref<1x64xf32, #tpu.memory_space<hbm>>
          %dma_start3A_119 = tpu.memref_squeeze %dma_start3A_118 : memref<1x64xf32, #tpu.memory_space<hbm>> -> memref<64xf32, #tpu.memory_space<hbm>>
          %dma_start3A_120 = arith.constant 0 : i32
          %dma_start3A_121 = tpu.memref_slice %arg14[%and3A_49, %add3A_113, %dma_start3A_120] : memref<2x256x64xf32, #tpu.memory_space<vmem>> -> memref<1x1x64xf32, #tpu.memory_space<vmem>>
          %dma_start3A_122 = tpu.memref_squeeze %dma_start3A_121 : memref<1x1x64xf32, #tpu.memory_space<vmem>> -> memref<64xf32, #tpu.memory_space<vmem>>
          %dma_start3A_123 = arith.constant 0 : i32
          %dma_start3A_124 = tpu.memref_slice %arg5[%squeeze3A_111, %dma_start3A_123] : memref<1000000x64xf32, #tpu.memory_space<hbm>> -> memref<1x64xf32, #tpu.memory_space<hbm>>
          %dma_start3A_125 = tpu.memref_squeeze %dma_start3A_124 : memref<1x64xf32, #tpu.memory_space<hbm>> -> memref<64xf32, #tpu.memory_space<hbm>>
          tpu.enqueue_dma source(%dma_start3A_125 : memref<64xf32, #tpu.memory_space<hbm>>) target(%dma_start3A_122 : memref<64xf32, #tpu.memory_space<vmem>>) target_semaphore(%arg21 : memref<!tpu.dma_semaphore, #tpu.memory_space<semaphore_mem>>)
          %slice3A_126 = vector.extract_strided_slice %select_n3A {offsets = [4], sizes = [1], strides = [1]} : vector<16xi32> to vector<1xi32>
          %squeeze3A_127 = vector.extract %slice3A_126[0] : i32 from vector<1xi32>
          %add3A_128 = arith.constant 4 : i32
          %add3A_129 = arith.addi %multiple_of3A, %add3A_128 : i32
          %dma_start3A_130 = arith.constant 0 : i32
          %dma_start3A_131 = tpu.memref_slice %arg14[%and3A_49, %add3A_129, %dma_start3A_130] : memref<2x256x64xf32, #tpu.memory_space<vmem>> -> memref<1x1x64xf32, #tpu.memory_space<vmem>>
          %dma_start3A_132 = tpu.memref_squeeze %dma_start3A_131 : memref<1x1x64xf32, #tpu.memory_space<vmem>> -> memref<64xf32, #tpu.memory_space<vmem>>
          %dma_start3A_133 = arith.constant 0 : i32
          %dma_start3A_134 = tpu.memref_slice %arg5[%squeeze3A_127, %dma_start3A_133] : memref<1000000x64xf32, #tpu.memory_space<hbm>> -> memref<1x64xf32, #tpu.memory_space<hbm>>
          %dma_start3A_135 = tpu.memref_squeeze %dma_start3A_134 : memref<1x64xf32, #tpu.memory_space<hbm>> -> memref<64xf32, #tpu.memory_space<hbm>>
          %dma_start3A_136 = arith.constant 0 : i32
          %dma_start3A_137 = tpu.memref_slice %arg14[%and3A_49, %add3A_129, %dma_start3A_136] : memref<2x256x64xf32, #tpu.memory_space<vmem>> -> memref<1x1x64xf32, #tpu.memory_space<vmem>>
          %dma_start3A_138 = tpu.memref_squeeze %dma_start3A_137 : memref<1x1x64xf32, #tpu.memory_space<vmem>> -> memref<64xf32, #tpu.memory_space<vmem>>
          %dma_start3A_139 = arith.constant 0 : i32
          %dma_start3A_140 = tpu.memref_slice %arg5[%squeeze3A_127, %dma_start3A_139] : memref<1000000x64xf32, #tpu.memory_space<hbm>> -> memref<1x64xf32, #tpu.memory_space<hbm>>
          %dma_start3A_141 = tpu.memref_squeeze %dma_start3A_140 : memref<1x64xf32, #tpu.memory_space<hbm>> -> memref<64xf32, #tpu.memory_space<hbm>>
          tpu.enqueue_dma source(%dma_start3A_141 : memref<64xf32, #tpu.memory_space<hbm>>) target(%dma_start3A_138 : memref<64xf32, #tpu.memory_space<vmem>>) target_semaphore(%arg21 : memref<!tpu.dma_semaphore, #tpu.memory_space<semaphore_mem>>)
          %slice3A_142 = vector.extract_strided_slice %select_n3A {offsets = [5], sizes = [1], strides = [1]} : vector<16xi32> to vector<1xi32>
          %squeeze3A_143 = vector.extract %slice3A_142[0] : i32 from vector<1xi32>
          %add3A_144 = arith.constant 5 : i32
          %add3A_145 = arith.addi %multiple_of3A, %add3A_144 : i32
          %dma_start3A_146 = arith.constant 0 : i32
          %dma_start3A_147 = tpu.memref_slice %arg14[%and3A_49, %add3A_145, %dma_start3A_146] : memref<2x256x64xf32, #tpu.memory_space<vmem>> -> memref<1x1x64xf32, #tpu.memory_space<vmem>>
          %dma_start3A_148 = tpu.memref_squeeze %dma_start3A_147 : memref<1x1x64xf32, #tpu.memory_space<vmem>> -> memref<64xf32, #tpu.memory_space<vmem>>
          %dma_start3A_149 = arith.constant 0 : i32
          %dma_start3A_150 = tpu.memref_slice %arg5[%squeeze3A_143, %dma_start3A_149] : memref<1000000x64xf32, #tpu.memory_space<hbm>> -> memref<1x64xf32, #tpu.memory_space<hbm>>
          %dma_start3A_151 = tpu.memref_squeeze %dma_start3A_150 : memref<1x64xf32, #tpu.memory_space<hbm>> -> memref<64xf32, #tpu.memory_space<hbm>>
          %dma_start3A_152 = arith.constant 0 : i32
          %dma_start3A_153 = tpu.memref_slice %arg14[%and3A_49, %add3A_145, %dma_start3A_152] : memref<2x256x64xf32, #tpu.memory_space<vmem>> -> memref<1x1x64xf32, #tpu.memory_space<vmem>>
          %dma_start3A_154 = tpu.memref_squeeze %dma_start3A_153 : memref<1x1x64xf32, #tpu.memory_space<vmem>> -> memref<64xf32, #tpu.memory_space<vmem>>
          %dma_start3A_155 = arith.constant 0 : i32
          %dma_start3A_156 = tpu.memref_slice %arg5[%squeeze3A_143, %dma_start3A_155] : memref<1000000x64xf32, #tpu.memory_space<hbm>> -> memref<1x64xf32, #tpu.memory_space<hbm>>
          %dma_start3A_157 = tpu.memref_squeeze %dma_start3A_156 : memref<1x64xf32, #tpu.memory_space<hbm>> -> memref<64xf32, #tpu.memory_space<hbm>>
          tpu.enqueue_dma source(%dma_start3A_157 : memref<64xf32, #tpu.memory_space<hbm>>) target(%dma_start3A_154 : memref<64xf32, #tpu.memory_space<vmem>>) target_semaphore(%arg21 : memref<!tpu.dma_semaphore, #tpu.memory_space<semaphore_mem>>)
          %slice3A_158 = vector.extract_strided_slice %select_n3A {offsets = [6], sizes = [1], strides = [1]} : vector<16xi32> to vector<1xi32>
          %squeeze3A_159 = vector.extract %slice3A_158[0] : i32 from vector<1xi32>
          %add3A_160 = arith.constant 6 : i32
          %add3A_161 = arith.addi %multiple_of3A, %add3A_160 : i32
          %dma_start3A_162 = arith.constant 0 : i32
          %dma_start3A_163 = tpu.memref_slice %arg14[%and3A_49, %add3A_161, %dma_start3A_162] : memref<2x256x64xf32, #tpu.memory_space<vmem>> -> memref<1x1x64xf32, #tpu.memory_space<vmem>>
          %dma_start3A_164 = tpu.memref_squeeze %dma_start3A_163 : memref<1x1x64xf32, #tpu.memory_space<vmem>> -> memref<64xf32, #tpu.memory_space<vmem>>
          %dma_start3A_165 = arith.constant 0 : i32
          %dma_start3A_166 = tpu.memref_slice %arg5[%squeeze3A_159, %dma_start3A_165] : memref<1000000x64xf32, #tpu.memory_space<hbm>> -> memref<1x64xf32, #tpu.memory_space<hbm>>
          %dma_start3A_167 = tpu.memref_squeeze %dma_start3A_166 : memref<1x64xf32, #tpu.memory_space<hbm>> -> memref<64xf32, #tpu.memory_space<hbm>>
          %dma_start3A_168 = arith.constant 0 : i32
          %dma_start3A_169 = tpu.memref_slice %arg14[%and3A_49, %add3A_161, %dma_start3A_168] : memref<2x256x64xf32, #tpu.memory_space<vmem>> -> memref<1x1x64xf32, #tpu.memory_space<vmem>>
          %dma_start3A_170 = tpu.memref_squeeze %dma_start3A_169 : memref<1x1x64xf32, #tpu.memory_space<vmem>> -> memref<64xf32, #tpu.memory_space<vmem>>
          %dma_start3A_171 = arith.constant 0 : i32
          %dma_start3A_172 = tpu.memref_slice %arg5[%squeeze3A_159, %dma_start3A_171] : memref<1000000x64xf32, #tpu.memory_space<hbm>> -> memref<1x64xf32, #tpu.memory_space<hbm>>
          %dma_start3A_173 = tpu.memref_squeeze %dma_start3A_172 : memref<1x64xf32, #tpu.memory_space<hbm>> -> memref<64xf32, #tpu.memory_space<hbm>>
          tpu.enqueue_dma source(%dma_start3A_173 : memref<64xf32, #tpu.memory_space<hbm>>) target(%dma_start3A_170 : memref<64xf32, #tpu.memory_space<vmem>>) target_semaphore(%arg21 : memref<!tpu.dma_semaphore, #tpu.memory_space<semaphore_mem>>)
          %slice3A_174 = vector.extract_strided_slice %select_n3A {offsets = [7], sizes = [1], strides = [1]} : vector<16xi32> to vector<1xi32>
          %squeeze3A_175 = vector.extract %slice3A_174[0] : i32 from vector<1xi32>
          %add3A_176 = arith.constant 7 : i32
          %add3A_177 = arith.addi %multiple_of3A, %add3A_176 : i32
          %dma_start3A_178 = arith.constant 0 : i32
          %dma_start3A_179 = tpu.memref_slice %arg14[%and3A_49, %add3A_177, %dma_start3A_178] : memref<2x256x64xf32, #tpu.memory_space<vmem>> -> memref<1x1x64xf32, #tpu.memory_space<vmem>>
          %dma_start3A_180 = tpu.memref_squeeze %dma_start3A_179 : memref<1x1x64xf32, #tpu.memory_space<vmem>> -> memref<64xf32, #tpu.memory_space<vmem>>
          %dma_start3A_181 = arith.constant 0 : i32
          %dma_start3A_182 = tpu.memref_slice %arg5[%squeeze3A_175, %dma_start3A_181] : memref<1000000x64xf32, #tpu.memory_space<hbm>> -> memref<1x64xf32, #tpu.memory_space<hbm>>
          %dma_start3A_183 = tpu.memref_squeeze %dma_start3A_182 : memref<1x64xf32, #tpu.memory_space<hbm>> -> memref<64xf32, #tpu.memory_space<hbm>>
          %dma_start3A_184 = arith.constant 0 : i32
          %dma_start3A_185 = tpu.memref_slice %arg14[%and3A_49, %add3A_177, %dma_start3A_184] : memref<2x256x64xf32, #tpu.memory_space<vmem>> -> memref<1x1x64xf32, #tpu.memory_space<vmem>>
          %dma_start3A_186 = tpu.memref_squeeze %dma_start3A_185 : memref<1x1x64xf32, #tpu.memory_space<vmem>> -> memref<64xf32, #tpu.memory_space<vmem>>
          %dma_start3A_187 = arith.constant 0 : i32
          %dma_start3A_188 = tpu.memref_slice %arg5[%squeeze3A_175, %dma_start3A_187] : memref<1000000x64xf32, #tpu.memory_space<hbm>> -> memref<1x64xf32, #tpu.memory_space<hbm>>
          %dma_start3A_189 = tpu.memref_squeeze %dma_start3A_188 : memref<1x64xf32, #tpu.memory_space<hbm>> -> memref<64xf32, #tpu.memory_space<hbm>>
          tpu.enqueue_dma source(%dma_start3A_189 : memref<64xf32, #tpu.memory_space<hbm>>) target(%dma_start3A_186 : memref<64xf32, #tpu.memory_space<vmem>>) target_semaphore(%arg21 : memref<!tpu.dma_semaphore, #tpu.memory_space<semaphore_mem>>)
          %slice3A_190 = vector.extract_strided_slice %select_n3A {offsets = [8], sizes = [1], strides = [1]} : vector<16xi32> to vector<1xi32>
          %squeeze3A_191 = vector.extract %slice3A_190[0] : i32 from vector<1xi32>
          %add3A_192 = arith.constant 8 : i32
          %add3A_193 = arith.addi %multiple_of3A, %add3A_192 : i32
          %dma_start3A_194 = arith.constant 0 : i32
          %dma_start3A_195 = tpu.memref_slice %arg14[%and3A_49, %add3A_193, %dma_start3A_194] : memref<2x256x64xf32, #tpu.memory_space<vmem>> -> memref<1x1x64xf32, #tpu.memory_space<vmem>>
          %dma_start3A_196 = tpu.memref_squeeze %dma_start3A_195 : memref<1x1x64xf32, #tpu.memory_space<vmem>> -> memref<64xf32, #tpu.memory_space<vmem>>
          %dma_start3A_197 = arith.constant 0 : i32
          %dma_start3A_198 = tpu.memref_slice %arg5[%squeeze3A_191, %dma_start3A_197] : memref<1000000x64xf32, #tpu.memory_space<hbm>> -> memref<1x64xf32, #tpu.memory_space<hbm>>
          %dma_start3A_199 = tpu.memref_squeeze %dma_start3A_198 : memref<1x64xf32, #tpu.memory_space<hbm>> -> memref<64xf32, #tpu.memory_space<hbm>>
          %dma_start3A_200 = arith.constant 0 : i32
          %dma_start3A_201 = tpu.memref_slice %arg14[%and3A_49, %add3A_193, %dma_start3A_200] : memref<2x256x64xf32, #tpu.memory_space<vmem>> -> memref<1x1x64xf32, #tpu.memory_space<vmem>>
          %dma_start3A_202 = tpu.memref_squeeze %dma_start3A_201 : memref<1x1x64xf32, #tpu.memory_space<vmem>> -> memref<64xf32, #tpu.memory_space<vmem>>
          %dma_start3A_203 = arith.constant 0 : i32
          %dma_start3A_204 = tpu.memref_slice %arg5[%squeeze3A_191, %dma_start3A_203] : memref<1000000x64xf32, #tpu.memory_space<hbm>> -> memref<1x64xf32, #tpu.memory_space<hbm>>
          %dma_start3A_205 = tpu.memref_squeeze %dma_start3A_204 : memref<1x64xf32, #tpu.memory_space<hbm>> -> memref<64xf32, #tpu.memory_space<hbm>>
          tpu.enqueue_dma source(%dma_start3A_205 : memref<64xf32, #tpu.memory_space<hbm>>) target(%dma_start3A_202 : memref<64xf32, #tpu.memory_space<vmem>>) target_semaphore(%arg21 : memref<!tpu.dma_semaphore, #tpu.memory_space<semaphore_mem>>)
          %slice3A_206 = vector.extract_strided_slice %select_n3A {offsets = [9], sizes = [1], strides = [1]} : vector<16xi32> to vector<1xi32>
          %squeeze3A_207 = vector.extract %slice3A_206[0] : i32 from vector<1xi32>
          %add3A_208 = arith.constant 9 : i32
          %add3A_209 = arith.addi %multiple_of3A, %add3A_208 : i32
          %dma_start3A_210 = arith.constant 0 : i32
          %dma_start3A_211 = tpu.memref_slice %arg14[%and3A_49, %add3A_209, %dma_start3A_210] : memref<2x256x64xf32, #tpu.memory_space<vmem>> -> memref<1x1x64xf32, #tpu.memory_space<vmem>>
          %dma_start3A_212 = tpu.memref_squeeze %dma_start3A_211 : memref<1x1x64xf32, #tpu.memory_space<vmem>> -> memref<64xf32, #tpu.memory_space<vmem>>
          %dma_start3A_213 = arith.constant 0 : i32
          %dma_start3A_214 = tpu.memref_slice %arg5[%squeeze3A_207, %dma_start3A_213] : memref<1000000x64xf32, #tpu.memory_space<hbm>> -> memref<1x64xf32, #tpu.memory_space<hbm>>
          %dma_start3A_215 = tpu.memref_squeeze %dma_start3A_214 : memref<1x64xf32, #tpu.memory_space<hbm>> -> memref<64xf32, #tpu.memory_space<hbm>>
          %dma_start3A_216 = arith.constant 0 : i32
          %dma_start3A_217 = tpu.memref_slice %arg14[%and3A_49, %add3A_209, %dma_start3A_216] : memref<2x256x64xf32, #tpu.memory_space<vmem>> -> memref<1x1x64xf32, #tpu.memory_space<vmem>>
          %dma_start3A_218 = tpu.memref_squeeze %dma_start3A_217 : memref<1x1x64xf32, #tpu.memory_space<vmem>> -> memref<64xf32, #tpu.memory_space<vmem>>
          %dma_start3A_219 = arith.constant 0 : i32
          %dma_start3A_220 = tpu.memref_slice %arg5[%squeeze3A_207, %dma_start3A_219] : memref<1000000x64xf32, #tpu.memory_space<hbm>> -> memref<1x64xf32, #tpu.memory_space<hbm>>
          %dma_start3A_221 = tpu.memref_squeeze %dma_start3A_220 : memref<1x64xf32, #tpu.memory_space<hbm>> -> memref<64xf32, #tpu.memory_space<hbm>>
          tpu.enqueue_dma source(%dma_start3A_221 : memref<64xf32, #tpu.memory_space<hbm>>) target(%dma_start3A_218 : memref<64xf32, #tpu.memory_space<vmem>>) target_semaphore(%arg21 : memref<!tpu.dma_semaphore, #tpu.memory_space<semaphore_mem>>)
          %slice3A_222 = vector.extract_strided_slice %select_n3A {offsets = [10], sizes = [1], strides = [1]} : vector<16xi32> to vector<1xi32>
          %squeeze3A_223 = vector.extract %slice3A_222[0] : i32 from vector<1xi32>
          %add3A_224 = arith.constant 10 : i32
          %add3A_225 = arith.addi %multiple_of3A, %add3A_224 : i32
          %dma_start3A_226 = arith.constant 0 : i32
          %dma_start3A_227 = tpu.memref_slice %arg14[%and3A_49, %add3A_225, %dma_start3A_226] : memref<2x256x64xf32, #tpu.memory_space<vmem>> -> memref<1x1x64xf32, #tpu.memory_space<vmem>>
          %dma_start3A_228 = tpu.memref_squeeze %dma_start3A_227 : memref<1x1x64xf32, #tpu.memory_space<vmem>> -> memref<64xf32, #tpu.memory_space<vmem>>
          %dma_start3A_229 = arith.constant 0 : i32
          %dma_start3A_230 = tpu.memref_slice %arg5[%squeeze3A_223, %dma_start3A_229] : memref<1000000x64xf32, #tpu.memory_space<hbm>> -> memref<1x64xf32, #tpu.memory_space<hbm>>
          %dma_start3A_231 = tpu.memref_squeeze %dma_start3A_230 : memref<1x64xf32, #tpu.memory_space<hbm>> -> memref<64xf32, #tpu.memory_space<hbm>>
          %dma_start3A_232 = arith.constant 0 : i32
          %dma_start3A_233 = tpu.memref_slice %arg14[%and3A_49, %add3A_225, %dma_start3A_232] : memref<2x256x64xf32, #tpu.memory_space<vmem>> -> memref<1x1x64xf32, #tpu.memory_space<vmem>>
          %dma_start3A_234 = tpu.memref_squeeze %dma_start3A_233 : memref<1x1x64xf32, #tpu.memory_space<vmem>> -> memref<64xf32, #tpu.memory_space<vmem>>
          %dma_start3A_235 = arith.constant 0 : i32
          %dma_start3A_236 = tpu.memref_slice %arg5[%squeeze3A_223, %dma_start3A_235] : memref<1000000x64xf32, #tpu.memory_space<hbm>> -> memref<1x64xf32, #tpu.memory_space<hbm>>
          %dma_start3A_237 = tpu.memref_squeeze %dma_start3A_236 : memref<1x64xf32, #tpu.memory_space<hbm>> -> memref<64xf32, #tpu.memory_space<hbm>>
          tpu.enqueue_dma source(%dma_start3A_237 : memref<64xf32, #tpu.memory_space<hbm>>) target(%dma_start3A_234 : memref<64xf32, #tpu.memory_space<vmem>>) target_semaphore(%arg21 : memref<!tpu.dma_semaphore, #tpu.memory_space<semaphore_mem>>)
          %slice3A_238 = vector.extract_strided_slice %select_n3A {offsets = [11], sizes = [1], strides = [1]} : vector<16xi32> to vector<1xi32>
          %squeeze3A_239 = vector.extract %slice3A_238[0] : i32 from vector<1xi32>
          %add3A_240 = arith.constant 11 : i32
          %add3A_241 = arith.addi %multiple_of3A, %add3A_240 : i32
          %dma_start3A_242 = arith.constant 0 : i32
          %dma_start3A_243 = tpu.memref_slice %arg14[%and3A_49, %add3A_241, %dma_start3A_242] : memref<2x256x64xf32, #tpu.memory_space<vmem>> -> memref<1x1x64xf32, #tpu.memory_space<vmem>>
          %dma_start3A_244 = tpu.memref_squeeze %dma_start3A_243 : memref<1x1x64xf32, #tpu.memory_space<vmem>> -> memref<64xf32, #tpu.memory_space<vmem>>
          %dma_start3A_245 = arith.constant 0 : i32
          %dma_start3A_246 = tpu.memref_slice %arg5[%squeeze3A_239, %dma_start3A_245] : memref<1000000x64xf32, #tpu.memory_space<hbm>> -> memref<1x64xf32, #tpu.memory_space<hbm>>
          %dma_start3A_247 = tpu.memref_squeeze %dma_start3A_246 : memref<1x64xf32, #tpu.memory_space<hbm>> -> memref<64xf32, #tpu.memory_space<hbm>>
          %dma_start3A_248 = arith.constant 0 : i32
          %dma_start3A_249 = tpu.memref_slice %arg14[%and3A_49, %add3A_241, %dma_start3A_248] : memref<2x256x64xf32, #tpu.memory_space<vmem>> -> memref<1x1x64xf32, #tpu.memory_space<vmem>>
          %dma_start3A_250 = tpu.memref_squeeze %dma_start3A_249 : memref<1x1x64xf32, #tpu.memory_space<vmem>> -> memref<64xf32, #tpu.memory_space<vmem>>
          %dma_start3A_251 = arith.constant 0 : i32
          %dma_start3A_252 = tpu.memref_slice %arg5[%squeeze3A_239, %dma_start3A_251] : memref<1000000x64xf32, #tpu.memory_space<hbm>> -> memref<1x64xf32, #tpu.memory_space<hbm>>
          %dma_start3A_253 = tpu.memref_squeeze %dma_start3A_252 : memref<1x64xf32, #tpu.memory_space<hbm>> -> memref<64xf32, #tpu.memory_space<hbm>>
          tpu.enqueue_dma source(%dma_start3A_253 : memref<64xf32, #tpu.memory_space<hbm>>) target(%dma_start3A_250 : memref<64xf32, #tpu.memory_space<vmem>>) target_semaphore(%arg21 : memref<!tpu.dma_semaphore, #tpu.memory_space<semaphore_mem>>)
          %slice3A_254 = vector.extract_strided_slice %select_n3A {offsets = [12], sizes = [1], strides = [1]} : vector<16xi32> to vector<1xi32>
          %squeeze3A_255 = vector.extract %slice3A_254[0] : i32 from vector<1xi32>
          %add3A_256 = arith.constant 12 : i32
          %add3A_257 = arith.addi %multiple_of3A, %add3A_256 : i32
          %dma_start3A_258 = arith.constant 0 : i32
          %dma_start3A_259 = tpu.memref_slice %arg14[%and3A_49, %add3A_257, %dma_start3A_258] : memref<2x256x64xf32, #tpu.memory_space<vmem>> -> memref<1x1x64xf32, #tpu.memory_space<vmem>>
          %dma_start3A_260 = tpu.memref_squeeze %dma_start3A_259 : memref<1x1x64xf32, #tpu.memory_space<vmem>> -> memref<64xf32, #tpu.memory_space<vmem>>
          %dma_start3A_261 = arith.constant 0 : i32
          %dma_start3A_262 = tpu.memref_slice %arg5[%squeeze3A_255, %dma_start3A_261] : memref<1000000x64xf32, #tpu.memory_space<hbm>> -> memref<1x64xf32, #tpu.memory_space<hbm>>
          %dma_start3A_263 = tpu.memref_squeeze %dma_start3A_262 : memref<1x64xf32, #tpu.memory_space<hbm>> -> memref<64xf32, #tpu.memory_space<hbm>>
          %dma_start3A_264 = arith.constant 0 : i32
          %dma_start3A_265 = tpu.memref_slice %arg14[%and3A_49, %add3A_257, %dma_start3A_264] : memref<2x256x64xf32, #tpu.memory_space<vmem>> -> memref<1x1x64xf32, #tpu.memory_space<vmem>>
          %dma_start3A_266 = tpu.memref_squeeze %dma_start3A_265 : memref<1x1x64xf32, #tpu.memory_space<vmem>> -> memref<64xf32, #tpu.memory_space<vmem>>
          %dma_start3A_267 = arith.constant 0 : i32
          %dma_start3A_268 = tpu.memref_slice %arg5[%squeeze3A_255, %dma_start3A_267] : memref<1000000x64xf32, #tpu.memory_space<hbm>> -> memref<1x64xf32, #tpu.memory_space<hbm>>
          %dma_start3A_269 = tpu.memref_squeeze %dma_start3A_268 : memref<1x64xf32, #tpu.memory_space<hbm>> -> memref<64xf32, #tpu.memory_space<hbm>>
          tpu.enqueue_dma source(%dma_start3A_269 : memref<64xf32, #tpu.memory_space<hbm>>) target(%dma_start3A_266 : memref<64xf32, #tpu.memory_space<vmem>>) target_semaphore(%arg21 : memref<!tpu.dma_semaphore, #tpu.memory_space<semaphore_mem>>)
          %slice3A_270 = vector.extract_strided_slice %select_n3A {offsets = [13], sizes = [1], strides = [1]} : vector<16xi32> to vector<1xi32>
          %squeeze3A_271 = vector.extract %slice3A_270[0] : i32 from vector<1xi32>
          %add3A_272 = arith.constant 13 : i32
          %add3A_273 = arith.addi %multiple_of3A, %add3A_272 : i32
          %dma_start3A_274 = arith.constant 0 : i32
          %dma_start3A_275 = tpu.memref_slice %arg14[%and3A_49, %add3A_273, %dma_start3A_274] : memref<2x256x64xf32, #tpu.memory_space<vmem>> -> memref<1x1x64xf32, #tpu.memory_space<vmem>>
          %dma_start3A_276 = tpu.memref_squeeze %dma_start3A_275 : memref<1x1x64xf32, #tpu.memory_space<vmem>> -> memref<64xf32, #tpu.memory_space<vmem>>
          %dma_start3A_277 = arith.constant 0 : i32
          %dma_start3A_278 = tpu.memref_slice %arg5[%squeeze3A_271, %dma_start3A_277] : memref<1000000x64xf32, #tpu.memory_space<hbm>> -> memref<1x64xf32, #tpu.memory_space<hbm>>
          %dma_start3A_279 = tpu.memref_squeeze %dma_start3A_278 : memref<1x64xf32, #tpu.memory_space<hbm>> -> memref<64xf32, #tpu.memory_space<hbm>>
          %dma_start3A_280 = arith.constant 0 : i32
          %dma_start3A_281 = tpu.memref_slice %arg14[%and3A_49, %add3A_273, %dma_start3A_280] : memref<2x256x64xf32, #tpu.memory_space<vmem>> -> memref<1x1x64xf32, #tpu.memory_space<vmem>>
          %dma_start3A_282 = tpu.memref_squeeze %dma_start3A_281 : memref<1x1x64xf32, #tpu.memory_space<vmem>> -> memref<64xf32, #tpu.memory_space<vmem>>
          %dma_start3A_283 = arith.constant 0 : i32
          %dma_start3A_284 = tpu.memref_slice %arg5[%squeeze3A_271, %dma_start3A_283] : memref<1000000x64xf32, #tpu.memory_space<hbm>> -> memref<1x64xf32, #tpu.memory_space<hbm>>
          %dma_start3A_285 = tpu.memref_squeeze %dma_start3A_284 : memref<1x64xf32, #tpu.memory_space<hbm>> -> memref<64xf32, #tpu.memory_space<hbm>>
          tpu.enqueue_dma source(%dma_start3A_285 : memref<64xf32, #tpu.memory_space<hbm>>) target(%dma_start3A_282 : memref<64xf32, #tpu.memory_space<vmem>>) target_semaphore(%arg21 : memref<!tpu.dma_semaphore, #tpu.memory_space<semaphore_mem>>)
          %slice3A_286 = vector.extract_strided_slice %select_n3A {offsets = [14], sizes = [1], strides = [1]} : vector<16xi32> to vector<1xi32>
          %squeeze3A_287 = vector.extract %slice3A_286[0] : i32 from vector<1xi32>
          %add3A_288 = arith.constant 14 : i32
          %add3A_289 = arith.addi %multiple_of3A, %add3A_288 : i32
          %dma_start3A_290 = arith.constant 0 : i32
          %dma_start3A_291 = tpu.memref_slice %arg14[%and3A_49, %add3A_289, %dma_start3A_290] : memref<2x256x64xf32, #tpu.memory_space<vmem>> -> memref<1x1x64xf32, #tpu.memory_space<vmem>>
          %dma_start3A_292 = tpu.memref_squeeze %dma_start3A_291 : memref<1x1x64xf32, #tpu.memory_space<vmem>> -> memref<64xf32, #tpu.memory_space<vmem>>
          %dma_start3A_293 = arith.constant 0 : i32
          %dma_start3A_294 = tpu.memref_slice %arg5[%squeeze3A_287, %dma_start3A_293] : memref<1000000x64xf32, #tpu.memory_space<hbm>> -> memref<1x64xf32, #tpu.memory_space<hbm>>
          %dma_start3A_295 = tpu.memref_squeeze %dma_start3A_294 : memref<1x64xf32, #tpu.memory_space<hbm>> -> memref<64xf32, #tpu.memory_space<hbm>>
          %dma_start3A_296 = arith.constant 0 : i32
          %dma_start3A_297 = tpu.memref_slice %arg14[%and3A_49, %add3A_289, %dma_start3A_296] : memref<2x256x64xf32, #tpu.memory_space<vmem>> -> memref<1x1x64xf32, #tpu.memory_space<vmem>>
          %dma_start3A_298 = tpu.memref_squeeze %dma_start3A_297 : memref<1x1x64xf32, #tpu.memory_space<vmem>> -> memref<64xf32, #tpu.memory_space<vmem>>
          %dma_start3A_299 = arith.constant 0 : i32
          %dma_start3A_300 = tpu.memref_slice %arg5[%squeeze3A_287, %dma_start3A_299] : memref<1000000x64xf32, #tpu.memory_space<hbm>> -> memref<1x64xf32, #tpu.memory_space<hbm>>
          %dma_start3A_301 = tpu.memref_squeeze %dma_start3A_300 : memref<1x64xf32, #tpu.memory_space<hbm>> -> memref<64xf32, #tpu.memory_space<hbm>>
          tpu.enqueue_dma source(%dma_start3A_301 : memref<64xf32, #tpu.memory_space<hbm>>) target(%dma_start3A_298 : memref<64xf32, #tpu.memory_space<vmem>>) target_semaphore(%arg21 : memref<!tpu.dma_semaphore, #tpu.memory_space<semaphore_mem>>)
          %slice3A_302 = vector.extract_strided_slice %select_n3A {offsets = [15], sizes = [1], strides = [1]} : vector<16xi32> to vector<1xi32>
          %squeeze3A_303 = vector.extract %slice3A_302[0] : i32 from vector<1xi32>
          %add3A_304 = arith.constant 15 : i32
          %add3A_305 = arith.addi %multiple_of3A, %add3A_304 : i32
          %dma_start3A_306 = arith.constant 0 : i32
          %dma_start3A_307 = tpu.memref_slice %arg14[%and3A_49, %add3A_305, %dma_start3A_306] : memref<2x256x64xf32, #tpu.memory_space<vmem>> -> memref<1x1x64xf32, #tpu.memory_space<vmem>>
          %dma_start3A_308 = tpu.memref_squeeze %dma_start3A_307 : memref<1x1x64xf32, #tpu.memory_space<vmem>> -> memref<64xf32, #tpu.memory_space<vmem>>
          %dma_start3A_309 = arith.constant 0 : i32
          %dma_start3A_310 = tpu.memref_slice %arg5[%squeeze3A_303, %dma_start3A_309] : memref<1000000x64xf32, #tpu.memory_space<hbm>> -> memref<1x64xf32, #tpu.memory_space<hbm>>
          %dma_start3A_311 = tpu.memref_squeeze %dma_start3A_310 : memref<1x64xf32, #tpu.memory_space<hbm>> -> memref<64xf32, #tpu.memory_space<hbm>>
          %dma_start3A_312 = arith.constant 0 : i32
          %dma_start3A_313 = tpu.memref_slice %arg14[%and3A_49, %add3A_305, %dma_start3A_312] : memref<2x256x64xf32, #tpu.memory_space<vmem>> -> memref<1x1x64xf32, #tpu.memory_space<vmem>>
          %dma_start3A_314 = tpu.memref_squeeze %dma_start3A_313 : memref<1x1x64xf32, #tpu.memory_space<vmem>> -> memref<64xf32, #tpu.memory_space<vmem>>
          %dma_start3A_315 = arith.constant 0 : i32
          %dma_start3A_316 = tpu.memref_slice %arg5[%squeeze3A_303, %dma_start3A_315] : memref<1000000x64xf32, #tpu.memory_space<hbm>> -> memref<1x64xf32, #tpu.memory_space<hbm>>
          %dma_start3A_317 = tpu.memref_squeeze %dma_start3A_316 : memref<1x64xf32, #tpu.memory_space<hbm>> -> memref<64xf32, #tpu.memory_space<hbm>>
          tpu.enqueue_dma source(%dma_start3A_317 : memref<64xf32, #tpu.memory_space<hbm>>) target(%dma_start3A_314 : memref<64xf32, #tpu.memory_space<vmem>>) target_semaphore(%arg21 : memref<!tpu.dma_semaphore, #tpu.memory_space<semaphore_mem>>)
        }
        %scan3A_55 = arith.constant 16 : i32
      } else {
      }
      %ge3A_37 = arith.constant 1 : i32
      %ge3A_38 = arith.cmpi sge, %scan3A_30, %ge3A_37 : i32
      %convert_element_type3A_39 = arith.extui %ge3A_38 : i1 to i32
      %cond3A_40 = arith.constant 0 : i32
      %cond3A_41 = arith.cmpi ne, %convert_element_type3A_39, %cond3A_40 : i32
      scf.if %cond3A_41 {
        %sub3A = arith.constant 1 : i32
        %sub3A_42 = arith.subi %scan3A_30, %sub3A : i32
        %lt3A_43 = arith.constant 2 : i32
        %lt3A_44 = arith.cmpi slt, %sub3A_42, %lt3A_43 : i32
        %and3A = arith.constant 1 : i32
        %and3A_45 = arith.andi %sub3A_42, %and3A : i32
        %mul3A_46 = arith.constant 256 : i32
        %mul3A_47 = arith.muli %and3A_45, %mul3A_46 : i32
        %broadcast_in_dim3A_48 = arith.constant 0 : i32
        %broadcast_in_dim3A_49 = vector.broadcast %broadcast_in_dim3A_48 : i32 to vector<16xi32>
        %and3A_50 = arith.constant 1 : i32
        %and3A_51 = arith.andi %sub3A_42, %and3A_50 : i32
        %add3A_52 = vector.broadcast %and3A_51 : i32 to vector<16xi32>
        %add3A_53 = arith.addi %broadcast_in_dim3A_49, %add3A_52 : vector<16xi32>
        %scan3A_54 = arith.constant 0 : i32
        %scan3A_55 = arith.constant 0 : i32
        %scan3A_56 = arith.constant 16 : i32
        %scan3A_57 = arith.addi %scan3A_55, %scan3A_56 : i32
        %scan3A_58 = arith.constant 1 : i32
        scf.for %scan3A_60 = %scan3A_55 to %scan3A_57 step %scan3A_58  : i32 {
          %mul3A_61 = arith.constant 16 : i32
          %mul3A_62 = arith.muli %scan3A_60, %mul3A_61 : i32
          %multiple_of3A = tpu.assume_multiple %mul3A_62, 16 : i32
          %add3A_63 = vector.broadcast %multiple_of3A : i32 to vector<16xi32>
          %add3A_64 = arith.addi %add3A_63, %iota3A : vector<16xi32>
          %add3A_65 = vector.broadcast %mul3A_47 : i32 to vector<16xi32>
          %add3A_66 = arith.addi %add3A_65, %add3A_64 : vector<16xi32>
          %mul3A_67 = arith.constant 64 : i32
          %mul3A_68 = vector.broadcast %mul3A_67 : i32 to vector<16xi32>
          %mul3A_69 = arith.muli %add3A_66, %mul3A_68 : vector<16xi32>
          %add3A_70 = arith.addi %mul3A_47, %multiple_of3A : i32
          %convert_element_type3A_71 = arith.extui %lt3A_44 : i1 to i32
          %cond3A_72 = arith.constant 0 : i32
          %cond3A_73 = arith.cmpi ne, %convert_element_type3A_71, %cond3A_72 : i32
          scf.if %cond3A_73 {
            %scan3A_78 = arith.constant 0 : i32
            %scan3A_79 = arith.constant 16 : i32
            %scan3A_80 = arith.addi %scan3A_78, %scan3A_79 : i32
            %scan3A_81 = arith.constant 1 : i32
            %scan3A_82:2 = scf.for %scan3A_93 = %scan3A_78 to %scan3A_80 step %scan3A_81 iter_args(%scan3A_94 = %broadcast_in_dim3A_23, %scan3A_95 = %broadcast_in_dim3A_23) -> (vector<16xf32>, vector<16xf32>)  : i32 {
              %mul3A_96 = arith.constant 4 : i32
              %mul3A_97 = arith.muli %scan3A_93, %mul3A_96 : i32
              %broadcast_in_dim3A_98 = arith.constant 0 : i32
              %broadcast_in_dim3A_99 = vector.broadcast %broadcast_in_dim3A_98 : i32 to vector<16xi32>
              %add3A_100 = arith.constant 0 : i32
              %add3A_101 = arith.addi %mul3A_97, %add3A_100 : i32
              %add3A_102 = vector.broadcast %add3A_101 : i32 to vector<16xi32>
              %add3A_103 = arith.addi %broadcast_in_dim3A_99, %add3A_102 : vector<16xi32>
              %gather3A = tpu.vector_load_idx %arg14[%add3A_53, %add3A_64, %add3A_103] : memref<2x256x64xf32, #tpu.memory_space<vmem>>[vector<16xi32>, vector<16xi32>, vector<16xi32>], vector<16xf32>,
              %add3A_104 = arith.addi %mul3A_69, %add3A_103 : vector<16xi32>
              %gather3A_105 = tpu.vector_load_idx %arg15[%add3A_104] : memref<32768xf32, #tpu.memory_space<vmem>>[vector<16xi32>], vector<16xf32>,
              %mul3A_106 = arith.mulf %gather3A, %gather3A_105 : vector<16xf32>
              %add3A_107 = arith.addf %scan3A_94, %mul3A_106 : vector<16xf32>
              %broadcast_in_dim3A_108 = arith.constant 0 : i32
              %broadcast_in_dim3A_109 = vector.broadcast %broadcast_in_dim3A_108 : i32 to vector<16xi32>
              %add3A_110 = arith.constant 1 : i32
              %add3A_111 = arith.addi %mul3A_97, %add3A_110 : i32
              %add3A_112 = vector.broadcast %add3A_111 : i32 to vector<16xi32>
              %add3A_113 = arith.addi %broadcast_in_dim3A_109, %add3A_112 : vector<16xi32>
              %gather3A_114 = tpu.vector_load_idx %arg14[%add3A_53, %add3A_64, %add3A_113] : memref<2x256x64xf32, #tpu.memory_space<vmem>>[vector<16xi32>, vector<16xi32>, vector<16xi32>], vector<16xf32>,
              %add3A_115 = arith.addi %mul3A_69, %add3A_113 : vector<16xi32>
              %gather3A_116 = tpu.vector_load_idx %arg15[%add3A_115] : memref<32768xf32, #tpu.memory_space<vmem>>[vector<16xi32>], vector<16xf32>,
              %mul3A_117 = arith.mulf %gather3A_114, %gather3A_116 : vector<16xf32>
              %add3A_118 = arith.addf %scan3A_95, %mul3A_117 : vector<16xf32>
              %broadcast_in_dim3A_119 = arith.constant 0 : i32
              %broadcast_in_dim3A_120 = vector.broadcast %broadcast_in_dim3A_119 : i32 to vector<16xi32>
              %add3A_121 = arith.constant 2 : i32
              %add3A_122 = arith.addi %mul3A_97, %add3A_121 : i32
              %add3A_123 = vector.broadcast %add3A_122 : i32 to vector<16xi32>
              %add3A_124 = arith.addi %broadcast_in_dim3A_120, %add3A_123 : vector<16xi32>
              %gather3A_125 = tpu.vector_load_idx %arg14[%add3A_53, %add3A_64, %add3A_124] : memref<2x256x64xf32, #tpu.memory_space<vmem>>[vector<16xi32>, vector<16xi32>, vector<16xi32>], vector<16xf32>,
              %add3A_126 = arith.addi %mul3A_69, %add3A_124 : vector<16xi32>
              %gather3A_127 = tpu.vector_load_idx %arg15[%add3A_126] : memref<32768xf32, #tpu.memory_space<vmem>>[vector<16xi32>], vector<16xf32>,
              %mul3A_128 = arith.mulf %gather3A_125, %gather3A_127 : vector<16xf32>
              %add3A_129 = arith.addf %add3A_107, %mul3A_128 : vector<16xf32>
              %broadcast_in_dim3A_130 = arith.constant 0 : i32
              %broadcast_in_dim3A_131 = vector.broadcast %broadcast_in_dim3A_130 : i32 to vector<16xi32>
              %add3A_132 = arith.constant 3 : i32
              %add3A_133 = arith.addi %mul3A_97, %add3A_132 : i32
              %add3A_134 = vector.broadcast %add3A_133 : i32 to vector<16xi32>
              %add3A_135 = arith.addi %broadcast_in_dim3A_131, %add3A_134 : vector<16xi32>
              %gather3A_136 = tpu.vector_load_idx %arg14[%add3A_53, %add3A_64, %add3A_135] : memref<2x256x64xf32, #tpu.memory_space<vmem>>[vector<16xi32>, vector<16xi32>, vector<16xi32>], vector<16xf32>,
              %add3A_137 = arith.addi %mul3A_69, %add3A_135 : vector<16xi32>
              %gather3A_138 = tpu.vector_load_idx %arg15[%add3A_137] : memref<32768xf32, #tpu.memory_space<vmem>>[vector<16xi32>], vector<16xf32>,
              %mul3A_139 = arith.mulf %gather3A_136, %gather3A_138 : vector<16xf32>
              %add3A_140 = arith.addf %add3A_118, %mul3A_139 : vector<16xf32>
              scf.yield %add3A_129, %add3A_140 : vector<16xf32>, vector<16xf32>
            }
            %scan3A_83 = arith.constant 16 : i32
            %add3A_84 = arith.addf %scan3A_82#0, %scan3A_82#1 : vector<16xf32>
            %neg3A = arith.constant 0.000000e+00 : f32
            %neg3A_85 = vector.broadcast %neg3A : f32 to vector<16xf32>
            %neg3A_86 = arith.subf %neg3A_85, %add3A_84 : vector<16xf32>
            %exp3A = math.exp %neg3A_86 : vector<16xf32>
            %add3A_87 = arith.constant 1.000000e+00 : f32
            %add3A_88 = vector.broadcast %add3A_87 : f32 to vector<16xf32>
            %add3A_89 = arith.addf %add3A_88, %exp3A : vector<16xf32>
            %div3A = arith.constant 1.000000e+00 : f32
            %div3A_90 = vector.broadcast %div3A : f32 to vector<16xf32>
            %div3A_91 = arith.divf %div3A_90, %add3A_89 : vector<16xf32>
            %swap3A = arith.index_cast %add3A_70 : i32 to index
            %swap3A_92 = tpu.vector_load %arg16[%swap3A] {strides = array<i32>} : memref<512xf32, #tpu.memory_space<vmem>>, vector<16xf32>,
            tpu.vector_store %arg16[%swap3A], %div3A_91 {strides = array<i32>} : memref<512xf32, #tpu.memory_space<vmem>>, vector<16xf32>,
          } else {
          }
          %not3A = arith.constant true
          %not3A_74 = arith.xori %lt3A_44, %not3A : i1
          %convert_element_type3A_75 = arith.extui %not3A_74 : i1 to i32
          %cond3A_76 = arith.constant 0 : i32
          %cond3A_77 = arith.cmpi ne, %convert_element_type3A_75, %cond3A_76 : i32
          scf.if %cond3A_77 {
            %scan3A_78 = arith.constant 0 : i32
            %scan3A_79 = arith.constant 16 : i32
            %scan3A_80 = arith.addi %scan3A_78, %scan3A_79 : i32
            %scan3A_81 = arith.constant 1 : i32
            %scan3A_82:2 = scf.for %scan3A_94 = %scan3A_78 to %scan3A_80 step %scan3A_81 iter_args(%scan3A_95 = %broadcast_in_dim3A_23, %scan3A_96 = %broadcast_in_dim3A_23) -> (vector<16xf32>, vector<16xf32>)  : i32 {
              %mul3A_97 = arith.constant 4 : i32
              %mul3A_98 = arith.muli %scan3A_94, %mul3A_97 : i32
              %broadcast_in_dim3A_99 = arith.constant 0 : i32
              %broadcast_in_dim3A_100 = vector.broadcast %broadcast_in_dim3A_99 : i32 to vector<16xi32>
              %add3A_101 = arith.constant 0 : i32
              %add3A_102 = arith.addi %mul3A_98, %add3A_101 : i32
              %add3A_103 = vector.broadcast %add3A_102 : i32 to vector<16xi32>
              %add3A_104 = arith.addi %broadcast_in_dim3A_100, %add3A_103 : vector<16xi32>
              %gather3A = tpu.vector_load_idx %arg14[%add3A_53, %add3A_64, %add3A_104] : memref<2x256x64xf32, #tpu.memory_space<vmem>>[vector<16xi32>, vector<16xi32>, vector<16xi32>], vector<16xf32>,
              %gather3A_105 = tpu.vector_load_idx %arg18[%add3A_104] : memref<64xf32, #tpu.memory_space<vmem>>[vector<16xi32>], vector<16xf32>,
              %mul3A_106 = arith.mulf %gather3A, %gather3A_105 : vector<16xf32>
              %add3A_107 = arith.addf %scan3A_95, %mul3A_106 : vector<16xf32>
              %broadcast_in_dim3A_108 = arith.constant 0 : i32
              %broadcast_in_dim3A_109 = vector.broadcast %broadcast_in_dim3A_108 : i32 to vector<16xi32>
              %add3A_110 = arith.constant 1 : i32
              %add3A_111 = arith.addi %mul3A_98, %add3A_110 : i32
              %add3A_112 = vector.broadcast %add3A_111 : i32 to vector<16xi32>
              %add3A_113 = arith.addi %broadcast_in_dim3A_109, %add3A_112 : vector<16xi32>
              %gather3A_114 = tpu.vector_load_idx %arg14[%add3A_53, %add3A_64, %add3A_113] : memref<2x256x64xf32, #tpu.memory_space<vmem>>[vector<16xi32>, vector<16xi32>, vector<16xi32>], vector<16xf32>,
              %gather3A_115 = tpu.vector_load_idx %arg18[%add3A_113] : memref<64xf32, #tpu.memory_space<vmem>>[vector<16xi32>], vector<16xf32>,
              %mul3A_116 = arith.mulf %gather3A_114, %gather3A_115 : vector<16xf32>
              %add3A_117 = arith.addf %scan3A_96, %mul3A_116 : vector<16xf32>
              %broadcast_in_dim3A_118 = arith.constant 0 : i32
              %broadcast_in_dim3A_119 = vector.broadcast %broadcast_in_dim3A_118 : i32 to vector<16xi32>
              %add3A_120 = arith.constant 2 : i32
              %add3A_121 = arith.addi %mul3A_98, %add3A_120 : i32
              %add3A_122 = vector.broadcast %add3A_121 : i32 to vector<16xi32>
              %add3A_123 = arith.addi %broadcast_in_dim3A_119, %add3A_122 : vector<16xi32>
              %gather3A_124 = tpu.vector_load_idx %arg14[%add3A_53, %add3A_64, %add3A_123] : memref<2x256x64xf32, #tpu.memory_space<vmem>>[vector<16xi32>, vector<16xi32>, vector<16xi32>], vector<16xf32>,
              %gather3A_125 = tpu.vector_load_idx %arg18[%add3A_123] : memref<64xf32, #tpu.memory_space<vmem>>[vector<16xi32>], vector<16xf32>,
              %mul3A_126 = arith.mulf %gather3A_124, %gather3A_125 : vector<16xf32>
              %add3A_127 = arith.addf %add3A_107, %mul3A_126 : vector<16xf32>
              %broadcast_in_dim3A_128 = arith.constant 0 : i32
              %broadcast_in_dim3A_129 = vector.broadcast %broadcast_in_dim3A_128 : i32 to vector<16xi32>
              %add3A_130 = arith.constant 3 : i32
              %add3A_131 = arith.addi %mul3A_98, %add3A_130 : i32
              %add3A_132 = vector.broadcast %add3A_131 : i32 to vector<16xi32>
              %add3A_133 = arith.addi %broadcast_in_dim3A_129, %add3A_132 : vector<16xi32>
              %gather3A_134 = tpu.vector_load_idx %arg14[%add3A_53, %add3A_64, %add3A_133] : memref<2x256x64xf32, #tpu.memory_space<vmem>>[vector<16xi32>, vector<16xi32>, vector<16xi32>], vector<16xf32>,
              %gather3A_135 = tpu.vector_load_idx %arg18[%add3A_133] : memref<64xf32, #tpu.memory_space<vmem>>[vector<16xi32>], vector<16xf32>,
              %mul3A_136 = arith.mulf %gather3A_134, %gather3A_135 : vector<16xf32>
              %add3A_137 = arith.addf %add3A_117, %mul3A_136 : vector<16xf32>
              scf.yield %add3A_127, %add3A_137 : vector<16xf32>, vector<16xf32>
            }
            %scan3A_83 = arith.constant 16 : i32
            %add3A_84 = arith.addf %scan3A_82#0, %scan3A_82#1 : vector<16xf32>
            %add3A_85 = arith.addf %add3A_84, %get3A_22 : vector<16xf32>
            %neg3A = arith.constant 0.000000e+00 : f32
            %neg3A_86 = vector.broadcast %neg3A : f32 to vector<16xf32>
            %neg3A_87 = arith.subf %neg3A_86, %add3A_85 : vector<16xf32>
            %exp3A = math.exp %neg3A_87 : vector<16xf32>
            %add3A_88 = arith.constant 1.000000e+00 : f32
            %add3A_89 = vector.broadcast %add3A_88 : f32 to vector<16xf32>
            %add3A_90 = arith.addf %add3A_89, %exp3A : vector<16xf32>
            %div3A = arith.constant 1.000000e+00 : f32
            %div3A_91 = vector.broadcast %div3A : f32 to vector<16xf32>
            %div3A_92 = arith.divf %div3A_91, %add3A_90 : vector<16xf32>
            %swap3A = arith.index_cast %add3A_70 : i32 to index
            %swap3A_93 = tpu.vector_load %arg17[%swap3A] {strides = array<i32>} : memref<512xf32, #tpu.memory_space<vmem>>, vector<16xf32>,
            tpu.vector_store %arg17[%swap3A], %div3A_92 {strides = array<i32>} : memref<512xf32, #tpu.memory_space<vmem>>, vector<16xf32>,
          } else {
          }
        }
        %scan3A_59 = arith.constant 16 : i32
      } else {
      }
    }
    %scan3A_29 = arith.constant 5 : i32
    "tpu.region"() ({
      %run_scoped3A = tpu.sem_alloc : memref<!tpu.dma_semaphore, #tpu.memory_space<semaphore_mem>>
      %dma_start3A_30 = tpu.memref_slice %arg9[%mul3A_2] : memref<16384xf32, #tpu.memory_space<hbm>> -> memref<512xf32, #tpu.memory_space<hbm>>
      %dma_start3A_31 = tpu.memref_slice %arg9[%mul3A_2] : memref<16384xf32, #tpu.memory_space<hbm>> -> memref<512xf32, #tpu.memory_space<hbm>>
      tpu.enqueue_dma source(%arg16 : memref<512xf32, #tpu.memory_space<vmem>>) target(%dma_start3A_31 : memref<512xf32, #tpu.memory_space<hbm>>) target_semaphore(%run_scoped3A : memref<!tpu.dma_semaphore, #tpu.memory_space<semaphore_mem>>)
      %dma_wait3A_32 = tpu.memref_slice %arg9[%mul3A_2] : memref<16384xf32, #tpu.memory_space<hbm>> -> memref<512xf32, #tpu.memory_space<hbm>>
      %dma_wait3A_33 = tpu.memref_slice %arg9[%mul3A_2] : memref<16384xf32, #tpu.memory_space<hbm>> -> memref<512xf32, #tpu.memory_space<hbm>>
      tpu.wait_dma2 semaphore(%run_scoped3A : memref<!tpu.dma_semaphore, #tpu.memory_space<semaphore_mem>>) src(%arg16 : memref<512xf32, #tpu.memory_space<vmem>>) dst(%dma_wait3A_33 : memref<512xf32, #tpu.memory_space<hbm>>)
      tpu.yield
    }) : () -> ()
    "tpu.region"() ({
      %run_scoped3A = tpu.sem_alloc : memref<!tpu.dma_semaphore, #tpu.memory_space<semaphore_mem>>
      %dma_start3A_30 = tpu.memref_slice %arg10[%mul3A_2] : memref<16384xf32, #tpu.memory_space<hbm>> -> memref<512xf32, #tpu.memory_space<hbm>>
      %dma_start3A_31 = tpu.memref_slice %arg10[%mul3A_2] : memref<16384xf32, #tpu.memory_space<hbm>> -> memref<512xf32, #tpu.memory_space<hbm>>
      tpu.enqueue_dma source(%arg17 : memref<512xf32, #tpu.memory_space<vmem>>) target(%dma_start3A_31 : memref<512xf32, #tpu.memory_space<hbm>>) target_semaphore(%run_scoped3A : memref<!tpu.dma_semaphore, #tpu.memory_space<semaphore_mem>>)
      %dma_wait3A_32 = tpu.memref_slice %arg10[%mul3A_2] : memref<16384xf32, #tpu.memory_space<hbm>> -> memref<512xf32, #tpu.memory_space<hbm>>
      %dma_wait3A_33 = tpu.memref_slice %arg10[%mul3A_2] : memref<16384xf32, #tpu.memory_space<hbm>> -> memref<512xf32, #tpu.memory_space<hbm>>
      tpu.wait_dma2 semaphore(%run_scoped3A : memref<!tpu.dma_semaphore, #tpu.memory_space<semaphore_mem>>) src(%arg17 : memref<512xf32, #tpu.memory_space<vmem>>) dst(%dma_wait3A_33 : memref<512xf32, #tpu.memory_space<hbm>>)
      tpu.yield
    }) : () -> ()
    return
  }
}

</mosaic_0001>

<sc_bundles>
// kernel: _run.3.cloned.1.call-start
scs
__scs_entry_jumppad:
0x0: {  	(pc) =	sbr.rel $0x88, $3  }
0x1: {  	(tag) =	ssettag $0x0;
	lr =	simm.s32 $0x1  }
0x2: {  	[smem:$0x3F9A] =	sst lr;
	_ =	strace $0xD0000000  }
0x3: {  	_ = 	snop  }
0x4: {  	_ = 	snop  }
0x5: {  	_ = 	snop  }
0x6: {  	_ = 	snop  }
0x7: {  	_ = 	snop  }
__scs_overlays_trampoline_lowered:
0x8: {  	[smem:$0x3FA9] =	sst s0  }
0x9: {  	[smem:$0x3FAA] =	sst s1  }
0xa: {  	[smem:$0x3FAB] =	sst s2  }
0xb: {  	[smem:$0x3FAC] =	sst s3  }
0xc: {  	[smem:$0x3FAD] =	sst s4  }
0xd: {  	[smem:$0x3FAE] =	sst s5  }
0xe: {  	[smem:$0x3FAF] =	sst s6  }
0xf: {  	[smem:$0x3FB0] =	sst s7  }
0x10: {  	[smem:$0x3FB1] =	sst s8  }
0x11: {  	[smem:$0x3FB2] =	sst s9;
	s0 =	simm.s32 @!p0 $0x0  }
0x12: {  	s1 =	sld [smem:$0x3F98];
	s0 =	simm.s32 @p0 $0x1  }
0x13: {  	[smem:$0x3FB3] =	sst s0;
	s0 =	simm.s32 @!p1 $0x0  }
0x14: {  	s2 =	sld [smem:$0x3F97];
	s0 =	simm.s32 @p1 $0x1  }
0x15: {  	[smem:$0x3FB4] =	sst s0;
	s0 =	simm.s32 @!p2 $0x0  }
0x16: {  	s3 =	sld [smem:$0x3FDB];
	s0 =	simm.s32 @p2 $0x1  }
0x17: {  	s4 =	simm.s32 $0x1BF5;
	[smem:$0x3FB6] =	sst s0  }
0x18: {  	s0 =	sld [smem:$0x3F99];
	_ =	swait.ge [sflag:s4], $0x0  }
0x19: {  	s7 =	sld [smem:$0x3F9A]  }
0x1a: {  	s8 =	sadd.s32 $0xFFFFE003, lr  }
0x1b: {  	s9 =	sadd.s32 $0xFFFFFEF7, lr;
	s5 =	simm.s32 $0xFFFFFFFF;
	p2 =	slt.u32 s8, $0xFFFFF086  }
0x1c: {  	p1 =	slt.u32 s9, $0xF7A;
	s5 =	simm.s32 @!p2 $0x0  }
0x1d: {  	s5 =	simm.s32 @p1 $0x1;
	p0 =	seq.s32 s7, s2  }
0x1e: {  	s7 =	smul.u32 @!p0 $0xF7A, s2;
	p2 =	seq.s32 @!p0 s5, $0x0  }
0x1f: {  	s9 =	smul.u32 $0xF7A, s1;
	s8 =	simm.s32 @!p0 $0x1BF5;
	p2 =	por !p2, p0  }
0x20: {  	[sflag:s8] =	ssyncset.s32 @!p0 $0xFFFFF086;
	s6 =	sadd.s32 @!p0 s3, s7;
	s7 =	simm.s32 @!p0 $0x108  }
0x21: {  	s3 =	sadd.s32 s3, s9;
	s6 =	sadd.s32 @!p0 $0x88, s6;
	s7 =	simm.s32 @p2 $0x1082  }
0x22: {  	[simem:s7], [sflag:s8] =	dma.local @!p0 [hbm:s6], $0xF7A  }
0x23: {  	s9 =	sor.u32 $0xD0000000, s2;
	s6 =	simm.s32 $0x108;
	_ =	swait.ge @!p0 [sflag:s8], $0x0  }
0x24: {  	s3 =	sadd.s32 $0x88, s3;
	s6 =	simm.s32 @!p1 $0x1082;
	[sflag:s4] =	ssyncset.s32 $0xFFFFF086  }
0x25: {  	[simem:s6], [sflag:s4] =	dma.local [hbm:s3], $0xF7A  }
0x26: {  	[smem:$0x3F9A] =	sst s1;
	(tag) =	ssettag s2;
	_ =	strace s9  }
0x27: {  	s1 =	sld [smem:$0x3FAA]  }
0x28: {  	s2 =	sld [smem:$0x3FAB]  }
0x29: {  	s4 =	sld [smem:$0x3FAD]  }
0x2a: {  	p0 =	seq.s32 s5, $0x0;
	s5 =	sld [smem:$0x3FAE]  }
0x2b: {  	s6 =	sld [smem:$0x3FAF]  }
0x2c: {  	s7 =	sld [smem:$0x3FB0]  }
0x2d: {  	s3 =	simm.s32 $0x108;
	s8 =	sld [smem:$0x3FB1]  }
0x2e: {  	s3 =	simm.s32 @!p0 $0x1082;
	s9 =	sld [smem:$0x3FB2]  }
0x2f: {  	lr =	sadd.s32 s0, s3;
	s0 =	sld [smem:$0x3FA9]  }
0x30: {  	s3 =	sld [smem:$0x3FAC]  }
0x31: {  	[smem:$0x3FB5] =	sst s10  }
0x32: {  	s10 =	sld [smem:$0x3FB3];
	_ =	sdelay $0x3  }
0x33: {  	p0 =	seq.s32 s10, $0x1;
	s10 =	sld [smem:$0x3FB5];
	_ =	sdelay $0x3  }
0x34: {  	[smem:$0x3FB5] =	sst s10  }
0x35: {  	s10 =	sld [smem:$0x3FB4];
	_ =	sdelay $0x3  }
0x36: {  	p1 =	seq.s32 s10, $0x1;
	s10 =	sld [smem:$0x3FB5];
	_ =	sdelay $0x3  }
0x37: {  	[smem:$0x3FB5] =	sst s10  }
0x38: {  	s10 =	sld [smem:$0x3FB6]  }
0x39: {  	_ = 	snop;
	(pc) =	sbr.ind lr, $3  }
0x3a: {  	_ = 	snop  }
0x3b: {  	_ = 	snop  }
0x3c: {  	p2 =	seq.s32 s10, $0x1;
	s10 =	sld [smem:$0x3FB5]  }
0x3d: {  	_ =	shalt  }
0x3e: {  	_ =	shalt  }
0x3f: {  	_ =	shalt  }
0x40: {  	_ =	shalt  }
0x41: {  	_ =	shalt  }
0x42: {  	_ =	shalt  }
0x43: {  	_ =	shalt  }
0x44: {  	_ =	shalt  }
0x45: {  	_ =	shalt  }
0x46: {  	_ =	shalt  }
0x47: {  	_ =	shalt  }
0x48: {  	_ =	shalt  }
0x49: {  	_ =	shalt  }
0x4a: {  	_ =	shalt  }
0x4b: {  	_ =	shalt  }
0x4c: {  	_ =	shalt  }
0x4d: {  	_ =	shalt  }
0x4e: {  	_ =	shalt  }
0x4f: {  	_ =	shalt  }
0x50: {  	_ =	shalt  }
0x51: {  	_ =	shalt  }
0x52: {  	_ =	shalt  }
0x53: {  	_ =	shalt  }
0x54: {  	_ =	shalt  }
0x55: {  	_ =	shalt  }
0x56: {  	_ =	shalt  }
0x57: {  	_ =	shalt  }
0x58: {  	_ =	shalt  }
0x59: {  	_ =	shalt  }
0x5a: {  	_ =	shalt  }
0x5b: {  	_ =	shalt  }
0x5c: {  	_ =	shalt  }
0x5d: {  	_ =	shalt  }
0x5e: {  	_ =	shalt  }
0x5f: {  	_ =	shalt  }
0x60: {  	_ =	shalt  }
0x61: {  	_ =	shalt  }
0x62: {  	_ =	shalt  }
0x63: {  	_ =	shalt  }
0x64: {  	_ =	shalt  }
0x65: {  	_ =	shalt  }
0x66: {  	_ =	shalt  }
0x67: {  	_ =	shalt  }
0x68: {  	_ =	shalt  }
0x69: {  	_ =	shalt  }
0x6a: {  	_ =	shalt  }
0x6b: {  	_ =	shalt  }
0x6c: {  	_ =	shalt  }
0x6d: {  	_ =	shalt  }
0x6e: {  	_ =	shalt  }
0x6f: {  	_ =	shalt  }
0x70: {  	_ =	shalt  }
0x71: {  	_ =	shalt  }
0x72: {  	_ =	shalt  }
0x73: {  	_ =	shalt  }
0x74: {  	_ =	shalt  }
0x75: {  	_ =	shalt  }
0x76: {  	_ =	shalt  }
0x77: {  	_ =	shalt  }
0x78: {  	_ =	shalt  }
0x79: {  	_ =	shalt  }
0x7a: {  	_ =	shalt  }
0x7b: {  	_ =	shalt  }
0x7c: {  	_ =	shalt  }
0x7d: {  	_ =	shalt  }
0x7e: {  	_ =	shalt  }
0x7f: {  	_ =	shalt  }
0x80: {  	_ =	shalt  }
0x81: {  	_ =	shalt  }
0x82: {  	_ =	shalt  }
0x83: {  	_ =	shalt  }
0x84: {  	_ =	shalt  }
0x85: {  	_ =	shalt  }
0x86: {  	_ =	shalt  }
0x87: {  	_ =	shalt  }
.Lfunc_end0:
.L_simem_size_0:
called_computation_lowered:
.L_overlay_start_0:
0x88: {  	s2 =	sld [smem:$0x3FD9]  }
0x89: {  	s3 =	sld [smem:$0x3FFE];
	_ =	sdelay $0x1  }
0x8a: {  	s1 =	srdreg.scid  }
0x8b: {  	s0 =	sand.u32 $0x1, s1  }
0x8c: {  	s14 =	sshll.u32 s0, $0xA;
	s2 =	sadd.s32 s3, s2  }
0x8d: {  	s2 =	sadd.s32 s2, s14  }
0x8e: {  	[smem:$0x3FC1] =	sst s2  }
0x8f: {  	_ = 	snop  }
0x90: {  	s2 =	sld [smem:$0x3FC9]  }
0x91: {  	s15 =	sld [smem:$0x3FC8]  }
0x92: {  	s4 =	sld [smem:$0x3FC7]  }
0x93: {  	s5 =	sld [smem:$0x3FD0]  }
0x94: {  	s6 =	sld [smem:$0x3FC5]  }
0x95: {  	s7 =	sld [smem:$0x3FC4]  }
0x96: {  	s9 =	simm.s32 $0xA;
	s10 =	simm.s32 $0x10;
	s8 =	sld [smem:$0x3FC3]  }
0x97: {  	[smem:s10], [sflag:s9] =	dma.local [hbm:s5], $0x1  }
0x98: {  	_ =	swait.eq [sflag:s9], $0x1  }
0x99: {  	[sflag:s9] =	ssyncset.done $0x0  }
0x9a: {  	s16 =	sld [smem:$0x10];
	[sflag:s9] =	ssyncadd.s32 $0xFFFFFFFF  }
0x9b: {  	s17 =	sld [smem:$0x11];
	(tm) =	ssettm $0x1  }
0x9c: {  	s18 =	sld [smem:$0x3FFB];
	_ =	sdelay $0x3  }
0x9d: {  	_ =	strace s18  }
0x9e: {  	s10 =	sld [smem:$0x3FFC];
	_ =	sdelay $0x3  }
0x9f: {  	_ =	strace s10  }
0xa0: {  	s10 =	sld [smem:$0x3FFD];
	_ =	sdelay $0x3  }
0xa1: {  	_ =	strace s10  }
0xa2: {  	_ =	strace $0x8FFFFFFF  }
0xa3: {  	s19 =	sld [smem:$0x3FDB];
	_ =	sdelay $0x1  }
0xa4: {  	s11 =	simm.s32 $_scs_section_size  }
0xa5: {  	s12 =	simm.s32 $_size__tile_overlayer_lowered;
	s13 =	simm.s32 $_tile_overlayer_lowered  }
0xa6: {  	s22 =	simm.s32 $0x1BFF;
	s21 =	sshll.u32 s13, $0x1;
	s10 =	sadd.s32 s11, s19  }
0xa7: {  	s20 =	sshll.u32 s12, $0x1;
	s14 =	simm.s32 $0x0;
	s12 =	sadd.s32 s21, s10  }
0xa8: {  	[timem:s14], [sflag:s22] =	dma.local [hbm:s12], s20  }
0xa9: {  	_ =	swait.ge [sflag:s22], s20  }
0xaa: {  	s11 =	ssub.s32 $0x0, s20;
	[sflag:s22] =	ssyncset.done $0x0  }
0xab: {  	[sflag:s22] =	ssyncadd.s32 s11;
	_ =	sdelay $0x1  }
0xac: {  	s23 =	simm.s32 $0x1B8B  }
0xad: {  	_ =	swait.ge [sflag:s23], $0x1  }
0xae: {  	[sflag:s23] =	ssyncset.done $0x0  }
0xaf: {  	s25 =	simm.s32 $0x1B8E;
	s24 =	sld [smem:$0x3FFE];
	[sflag:s23] =	ssyncadd.s32 $0xFFFFFFFF  }
0xb0: {  	s26 =	simm.s32 $execute0_lowered;
	[smem:$0x3FD2] =	sst s25  }
0xb1: {  	s12 =	sshll.u32 s26, $0x1;
	_ =	strace $0x80000046;
	[dreg:$0x1] =	wrdreg $0xFFFFFFFF  }
0xb2: {  	s28 =	simm.s32 $_size_execute0_lowered;
	s10 =	sadd.s32 s10, s12;
	[dreg:$0x0] =	wrdreg $0x0  }
0xb3: {  	s12 =	sshll.u32 s28, $0x1;
	[dreg:$0x2] =	wrdreg s10  }
0xb4: {  	[dreg:$0x3] =	wrdreg s12  }
0xb5: {  	[dreg:$0x4] =	wrdreg $0xC0  }
0xb6: {  	_ =	task [dreg:s14], $0x5FFFF  }
0xb7: {  	[dreg:$0x1] =	wrdreg $0xFFFFFFFF  }
0xb8: {  	[dreg:$0x0] =	wrdreg $0x60  }
0xb9: {  	[dreg:$0x2] =	wrdreg s2  }
0xba: {  	[dreg:$0x3] =	wrdreg s15  }
0xbb: {  	[dreg:$0x4] =	wrdreg s4  }
0xbc: {  	[dreg:$0x5] =	wrdreg s24  }
0xbd: {  	[dreg:$0x6] =	wrdreg s6  }
0xbe: {  	[dreg:$0x7] =	wrdreg s7  }
0xbf: {  	[dreg:$0x8] =	wrdreg s8  }
0xc0: {  	[dreg:$0x9] =	wrdreg s16  }
0xc1: {  	[dreg:$0xa] =	wrdreg s17  }
0xc2: {  	[dreg:$0xb] =	wrdreg $0x9  }
0xc3: {  	_ =	task.clear_ibuf [dreg:s14], $0xCFFFF;
	_ =	strace $0x90000046  }
0xc4: {  	s29 =	simm.s32 $0x9;
	_ =	strace $0x80000048  }
0xc5: {  	_ =	swait.ge [sflag:s29], $0x1  }
0xc6: {  	[sflag:s29] =	ssyncadd.s32 $0xFFFFFFFF  }
0xc7: {  	_ =	strace $0x90000048  }
0xc8: {  	_ =	sfence  }
0xc9: {  	s30 =	sld [smem:$0x0];
	_ =	sdelay $0x2  }
0xca: {  	s31 =	sshll.u32 s1, $0xD;
	s1 =	sshrl.u32 s1, $0x2  }
0xcb: {  	s3 =	sand.u32 $0x4000, s31;
	s1 =	sadd.s32 s1, s30  }
0xcc: {  	s0 =	sor.u32 s3, s0;
	s1 =	sshll.u32 s1, $0x11  }
0xcd: {  	s0 =	sor.u32 s1, s0  }
0xce: {  	s0 =	sadd.s32 $0x8F2B, s0  }
0xcf: {  	[sflag:s0] =	ssyncadd.remote.s32 $0x1  }
0xd0: {  	_ =	sfence.sel $0xFFFF  }
0xd1: {  	[dreg:$0x0] =	wrdreg $0xFFFFFFFF;
	(pc) =	sbr.abs _section_cstart, $3  }
0xd2: {  	[dreg:$0x1] =	wrdreg $0xFFFFFFFF  }
0xd3: {  	_ =	task.clear_ibuf [dreg:s14], $0x2FFFF;
	_ =	strace $0x9FFFFFFF  }
0xd4: {  	(tm) =	ssettm $0x7FFFFFFF  }
0xd5: {  	_ =	shalt  }
tec
execute0_lowered:
.L_overlay_start_1:
0x0: {  	(tag) =	ssettag $0x1  }
0x1: {  	s0 =	rddreg [dreg:$0x0]  }
0x2: {  	s1 =	rddreg [dreg:$0x1]  }
0x3: {  	s2 =	rddreg [dreg:$0x2]  }
0x4: {  	s4 =	rddreg [dreg:$0x3]  }
0x5: {  	s3 =	rddreg [dreg:$0x4]  }
0x6: {  	s6 =	rddreg [dreg:$0x7]  }
0x7: {  	s7 =	rddreg [dreg:$0x8];
	s5 =	srdreg.scid  }
0x8: {  	s10 =	stileid.u32;
	s13 =	simm.s32 $0x18A00;
	s5 =	sand.u32 $0x1, s5  }
0x9: {  	s18 =	simm.s32 $0x600;
	s10 =	sshll.u32 s10, $0x7;
	s11 =	sshll.u32 s5, $0x6  }
0xa: {  	[dreg:$0xa] =	wrdreg s3;
	s3 =	simm.s32 $0x0;
	s25 =	sor.u32 s11, s10  }
0xb: {  	[smem:$0x7FF] =	sst s3;
	s8 =	ssub.s32 $0x2, s5;
	s0 =	sadd.s32 s0, s25  }
0xc: {  	_ =	strace $0x80000047;
	s26 =	sadd.s32 s1, s25;
	[dreg:$0xc] =	wrdreg s0  }
.Ltmp0:
0xd: {  	s28 =	sadd.s32 s2, s25;
	[dreg:$0xd] =	wrdreg s26;
	(pc) =	sbr.rel .LBB2_1-.Ltmp0, $4  }
0xe: {  	s9 =	sshrl.u32 s8, $0x1;
	s29 =	sadd.s32 s6, s25;
	[dreg:$0xe] =	wrdreg s28  }
0xf: {  	s24 =	ssub.s32 s8, s9;
	s30 =	sadd.s32 s7, s25;
	[dreg:$0xf] =	wrdreg s29  }
0x10: {  	v0 =	vlaneseq.u32;
	s19 =	simm.s32 $0x10600;
	[dreg:$0x10] =	wrdreg s30;
	s31 =	smax.u32 s24, $0x1  }
0x11: {  	v1 =	vmul.u32 $0x80, v0;
	s5 =	sadd.s32 $0x600, s4;
	s2 =	simm.s32 $0x0;
	[dreg:$0x11] =	wrdreg s31  }
.LBB2_18:
0x12: {  	s0 =	rddreg [dreg:$0xf];
	s1 =	simm.s32 $0x18600;
	s28 =	simm.s32 $0x5  }
0x13: {  	[hbm4b:s0+s3] =	stream.linear.scatter [tilespmem:s1], [sflag:$0x5], $0x200, $0x38;
	[tilespmem:$0x18B00] =	vst v63  }
0x14: {  	_ =	swait.ge [sflag:s28], $0x200  }
0x15: {  	[sflag:s28] =	ssyncset.done $0x0  }
0x16: {  	s2 =	simm.s32 $0x18800;
	s29 =	rddreg [dreg:$0x10];
	[sflag:s28] =	ssyncadd.s32 $0xFFFFFE00  }
0x17: {  	[hbm4b:s29+s3] =	stream.linear.scatter [tilespmem:s2], [sflag:$0x5], $0x200, $0x38;
	[tilespmem:$0x18B00] =	vst v63  }
0x18: {  	_ =	swait.ge [sflag:s28], $0x200  }
0x19: {  	s30 =	rddreg [dreg:$0x12]  }
0x1a: {  	s31 =	rddreg [dreg:$0x11];
	s2 =	sadd.s32 $0x1, s30  }
0x1b: {  	p0 =	sne.s32 s2, s31  }
.Ltmp1:
0x1c: {  	_ = 	snop;
	(pc) =	sbr.rel @!p0 .LBB2_19-.Ltmp1, $3  }
0x1d: {  	_ =	sdelay $0x1  }
0x1e: {  	[sflag:s28] =	ssyncset.done $0x0  }
0x1f: {  	[sflag:s28] =	ssyncadd.s32 $0xFFFFFE00  }
.LBB2_1:
0x20: {  	[dreg:$0x12] =	wrdreg s2  }
0x21: {  	s0 =	rddreg [dreg:$0xc]  }
0x22: {  	[tilespmem:s3], [sflag:$0x1] =	stream.linear.gather [hbm4b:s0+s3], $0x200, $0x38;
	[tilespmem:$0x18B00] =	vst v63  }
0x23: {  	s15 =	simm.s32 $0x200;
	s1 =	rddreg [dreg:$0xd]  }
0x24: {  	[tilespmem:s15], [sflag:$0x1] =	stream.linear.gather [hbm4b:s1+s3], $0x200, $0x38;
	[tilespmem:$0x18B00] =	vst v63  }
0x25: {  	s16 =	rddreg [dreg:$0xe];
	s17 =	simm.s32 $0x400  }
0x26: {  	[tilespmem:s17], [sflag:$0x1] =	stream.linear.gather [hbm4b:s16+s3], $0x200, $0x38;
	[tilespmem:$0x18B00] =	vst v63  }
0x27: {  	s20 =	rddreg [dreg:$0x5]  }
0x28: {  	[tilespmem:s13], [sflag:$0x4] =	stream.linear.gather [hbm4b:s20+s3], $0x80, $0x38;
	[tilespmem:$0x18B00] =	vst v63  }
0x29: {  	s21 =	rddreg [dreg:$0x6];
	s22 =	simm.s32 $0x18A80;
	s23 =	simm.s32 $0x1  }
0x2a: {  	[tilespmem:s22], [sflag:$0x4] =	stream.linear.gather [hbm4b:s21+s3], $0x80, $0x38;
	[tilespmem:$0x18B00] =	vst v63  }
0x2b: {  	_ =	swait.ge [sflag:s23], $0x200  }
0x2c: {  	[sflag:s23] =	ssyncset.done $0x0  }
0x2d: {  	[sflag:s23] =	ssyncadd.s32 $0xFFFFFE00  }
0x2e: {  	_ =	swait.ge [sflag:s23], $0x200  }
0x2f: {  	[sflag:s23] =	ssyncset.done $0x0  }
0x30: {  	[sflag:s23] =	ssyncadd.s32 $0xFFFFFE00  }
0x31: {  	_ =	swait.ge [sflag:s23], $0x200  }
0x32: {  	[sflag:s23] =	ssyncset.done $0x0  }
0x33: {  	[sflag:s23] =	ssyncadd.s32 $0xFFFFFE00  }
0x34: {  	v2 =	vld [tilespmem:s15+$0x0];
	_ =	sdelay $0x4  }
0x35: {  	v2 =	vshll.u32 v2, $0x6  }
0x36: {  	s24 =	rddreg [dreg:$0xa];
	v2 =	vshrl.u32 v2, $0x3  }
0x37: {  	v2 =	vadd.s32 s24, v2  }
0x38: {  	(v2sf) =	vpush v2, $0x0;
	_ =	sdelay $0x1  }
0x39: {  	(v2sf) =	vpush v2, $0x1;
	_ =	sdelay $0x1  }
0x3a: {  	(v2sf) =	vpush v2, $0x2;
	_ =	sdelay $0x1  }
0x3b: {  	(v2sf) =	vpush v2, $0x3;
	_ =	sdelay $0x1  }
0x3c: {  	(v2sf) =	vpush v2, $0x4;
	_ =	sdelay $0x1  }
0x3d: {  	(v2sf) =	vpush v2, $0x5;
	_ =	sdelay $0x1  }
0x3e: {  	(v2sf) =	vpush v2, $0x6;
	_ =	sdelay $0x1  }
0x3f: {  	(v2sf) =	vpush v2, $0x7  }
0x40: {  	s25 =	simm.s32 $0x10600;
	s26 =	spop (v2sf)  }
0x41: {  	(v2sf) =	vpush v2, $0x8;
	[tilespmem:s25], [sflag:$0x3] =	stream.linear.gather [hbm4b:s26+s3], $0x40, $0x38;
	[tilespmem:$0x18B00] =	vst v63  }
0x42: {  	s28 =	simm.s32 $0x10640;
	s29 =	spop (v2sf);
	(v2sf) =	vpush v2, $0x9  }
0x43: {  	[tilespmem:s28], [sflag:$0x3] =	stream.linear.gather [hbm4b:s29+s3], $0x40, $0x38;
	[tilespmem:$0x18B00] =	vst v63  }
0x44: {  	s30 =	simm.s32 $0x10680;
	s31 =	spop (v2sf);
	(v2sf) =	vpush v2, $0xA  }
0x45: {  	[tilespmem:s30], [sflag:$0x3] =	stream.linear.gather [hbm4b:s31+s3], $0x40, $0x38;
	[tilespmem:$0x18B00] =	vst v63  }
0x46: {  	s2 =	simm.s32 $0x106C0;
	s4 =	spop (v2sf);
	(v2sf) =	vpush v2, $0xB  }
0x47: {  	[tilespmem:s2], [sflag:$0x3] =	stream.linear.gather [hbm4b:s4+s3], $0x40, $0x38;
	[tilespmem:$0x18B00] =	vst v63  }
0x48: {  	s6 =	simm.s32 $0x10700;
	s7 =	spop (v2sf);
	(v2sf) =	vpush v2, $0xC  }
0x49: {  	[tilespmem:s6], [sflag:$0x3] =	stream.linear.gather [hbm4b:s7+s3], $0x40, $0x38;
	[tilespmem:$0x18B00] =	vst v63  }
0x4a: {  	s8 =	simm.s32 $0x10740;
	s9 =	spop (v2sf);
	(v2sf) =	vpush v2, $0xD  }
0x4b: {  	[tilespmem:s8], [sflag:$0x3] =	stream.linear.gather [hbm4b:s9+s3], $0x40, $0x38;
	[tilespmem:$0x18B00] =	vst v63  }
0x4c: {  	s10 =	simm.s32 $0x10780;
	s11 =	spop (v2sf);
	(v2sf) =	vpush v2, $0xE  }
0x4d: {  	[tilespmem:s10], [sflag:$0x3] =	stream.linear.gather [hbm4b:s11+s3], $0x40, $0x38;
	[tilespmem:$0x18B00] =	vst v63  }
0x4e: {  	s12 =	simm.s32 $0x107C0;
	s14 =	spop (v2sf);
	(v2sf) =	vpush v2, $0xF  }
0x4f: {  	[tilespmem:s12], [sflag:$0x3] =	stream.linear.gather [hbm4b:s14+s3], $0x40, $0x38;
	[tilespmem:$0x18B00] =	vst v63  }
0x50: {  	s16 =	spop (v2sf)  }
0x51: {  	s15 =	simm.s32 $0x10800;
	s20 =	spop (v2sf)  }
0x52: {  	[tilespmem:s15], [sflag:$0x3] =	stream.linear.gather [hbm4b:s16+s3], $0x40, $0x38;
	[tilespmem:$0x18B00] =	vst v63  }
0x53: {  	s17 =	simm.s32 $0x10840;
	s22 =	spop (v2sf)  }
0x54: {  	[tilespmem:s17], [sflag:$0x3] =	stream.linear.gather [hbm4b:s20+s3], $0x40, $0x38;
	[tilespmem:$0x18B00] =	vst v63  }
0x55: {  	s21 =	simm.s32 $0x10880;
	s24 =	spop (v2sf)  }
0x56: {  	[tilespmem:s21], [sflag:$0x3] =	stream.linear.gather [hbm4b:s22+s3], $0x40, $0x38;
	[tilespmem:$0x18B00] =	vst v63  }
0x57: {  	s23 =	simm.s32 $0x108C0;
	s26 =	spop (v2sf)  }
0x58: {  	[tilespmem:s23], [sflag:$0x3] =	stream.linear.gather [hbm4b:s24+s3], $0x40, $0x38;
	[tilespmem:$0x18B00] =	vst v63  }
0x59: {  	s0 =	simm.s32 $0x1000;
	s25 =	simm.s32 $0x10900;
	s29 =	spop (v2sf)  }
0x5a: {  	[tilespmem:s25], [sflag:$0x3] =	stream.linear.gather [hbm4b:s26+s3], $0x40, $0x38;
	[tilespmem:$0x18B00] =	vst v63  }
0x5b: {  	s1 =	simm.s32 $0x210;
	s28 =	simm.s32 $0x10940;
	s31 =	spop (v2sf)  }
0x5c: {  	[tilespmem:s28], [sflag:$0x3] =	stream.linear.gather [hbm4b:s29+s3], $0x40, $0x38;
	[tilespmem:$0x18B00] =	vst v63  }
0x5d: {  	s30 =	simm.s32 $0x10980;
	s2 =	simm.s32 $0x109C0;
	s4 =	spop (v2sf)  }
0x5e: {  	[tilespmem:s30], [sflag:$0x3] =	stream.linear.gather [hbm4b:s31+s3], $0x40, $0x38;
	[tilespmem:$0x18B00] =	vst v63  }
.LBB2_2:
0x5f: {  	[tilespmem:s2], [sflag:$0x3] =	stream.linear.gather [hbm4b:s4+s3], $0x40, $0x38;
	[tilespmem:$0x18B00] =	vst v63  }
0x60: {  	v2 =	vld [tilespmem:s1+$0x0];
	_ =	sdelay $0x4  }
0x61: {  	v2 =	vshll.u32 v2, $0x6  }
0x62: {  	s23 =	rddreg [dreg:$0xa];
	v2 =	vshrl.u32 v2, $0x3  }
0x63: {  	v2 =	vadd.s32 s23, v2  }
0x64: {  	(v2sf) =	vpush v2, $0x0;
	_ =	sdelay $0x1  }
0x65: {  	(v2sf) =	vpush v2, $0x1;
	_ =	sdelay $0x1  }
0x66: {  	(v2sf) =	vpush v2, $0x2;
	_ =	sdelay $0x1  }
0x67: {  	(v2sf) =	vpush v2, $0x3;
	_ =	sdelay $0x1  }
0x68: {  	(v2sf) =	vpush v2, $0x4;
	_ =	sdelay $0x1  }
0x69: {  	(v2sf) =	vpush v2, $0x5;
	_ =	sdelay $0x1  }
0x6a: {  	(v2sf) =	vpush v2, $0x6  }
0x6b: {  	s22 =	smov.u32 s0  }
0x6c: {  	s2 =	sshra.s32 s22, $0x2;
	(v2sf) =	vpush v2, $0x7  }
0x6d: {  	s24 =	sadd.s32 $0x10600, s2;
	s6 =	spop (v2sf)  }
0x6e: {  	(v2sf) =	vpush v2, $0x8;
	[tilespmem:s24], [sflag:$0x3] =	stream.linear.gather [hbm4b:s6+s3], $0x40, $0x38;
	[tilespmem:$0x18B00] =	vst v63  }
0x6f: {  	s25 =	sadd.s32 $0x10640, s2;
	s26 =	spop (v2sf)  }
0x70: {  	(v2sf) =	vpush v2, $0x9;
	[tilespmem:s25], [sflag:$0x3] =	stream.linear.gather [hbm4b:s26+s3], $0x40, $0x38;
	[tilespmem:$0x18B00] =	vst v63  }
0x71: {  	s28 =	sadd.s32 $0x10680, s2;
	s29 =	spop (v2sf)  }
0x72: {  	(v2sf) =	vpush v2, $0xA;
	[tilespmem:s28], [sflag:$0x3] =	stream.linear.gather [hbm4b:s29+s3], $0x40, $0x38;
	[tilespmem:$0x18B00] =	vst v63  }
0x73: {  	s30 =	sadd.s32 $0x106C0, s2;
	s31 =	spop (v2sf)  }
0x74: {  	(v2sf) =	vpush v2, $0xB;
	[tilespmem:s30], [sflag:$0x3] =	stream.linear.gather [hbm4b:s31+s3], $0x40, $0x38;
	[tilespmem:$0x18B00] =	vst v63  }
0x75: {  	s6 =	sadd.s32 $0x10700, s2;
	s7 =	spop (v2sf)  }
0x76: {  	(v2sf) =	vpush v2, $0xC;
	[tilespmem:s6], [sflag:$0x3] =	stream.linear.gather [hbm4b:s7+s3], $0x40, $0x38;
	[tilespmem:$0x18B00] =	vst v63  }
0x77: {  	s8 =	sadd.s32 $0x10740, s2;
	s9 =	spop (v2sf)  }
0x78: {  	(v2sf) =	vpush v2, $0xD;
	[tilespmem:s8], [sflag:$0x3] =	stream.linear.gather [hbm4b:s9+s3], $0x40, $0x38;
	[tilespmem:$0x18B00] =	vst v63  }
0x79: {  	s10 =	sadd.s32 $0x10780, s2;
	s11 =	spop (v2sf);
	(v2sf) =	vpush v2, $0xE  }
0x7a: {  	[tilespmem:s10], [sflag:$0x3] =	stream.linear.gather [hbm4b:s11+s3], $0x40, $0x38;
	[tilespmem:$0x18B00] =	vst v63  }
0x7b: {  	s12 =	sadd.s32 $0x107C0, s2;
	s14 =	spop (v2sf);
	(v2sf) =	vpush v2, $0xF  }
0x7c: {  	[tilespmem:s12], [sflag:$0x3] =	stream.linear.gather [hbm4b:s14+s3], $0x40, $0x38;
	[tilespmem:$0x18B00] =	vst v63  }
0x7d: {  	s15 =	sadd.s32 $0x10800, s2;
	s16 =	spop (v2sf)  }
0x7e: {  	[tilespmem:s15], [sflag:$0x3] =	stream.linear.gather [hbm4b:s16+s3], $0x40, $0x38;
	[tilespmem:$0x18B00] =	vst v63  }
0x7f: {  	s17 =	sadd.s32 $0x10840, s2;
	s20 =	spop (v2sf)  }
0x80: {  	[tilespmem:s17], [sflag:$0x3] =	stream.linear.gather [hbm4b:s20+s3], $0x40, $0x38;
	[tilespmem:$0x18B00] =	vst v63  }
0x81: {  	s21 =	sadd.s32 $0x10880, s2;
	s22 =	spop (v2sf)  }
0x82: {  	[tilespmem:s21], [sflag:$0x3] =	stream.linear.gather [hbm4b:s22+s3], $0x40, $0x38;
	[tilespmem:$0x18B00] =	vst v63  }
0x83: {  	s23 =	sadd.s32 $0x108C0, s2;
	s24 =	spop (v2sf)  }
0x84: {  	[tilespmem:s23], [sflag:$0x3] =	stream.linear.gather [hbm4b:s24+s3], $0x40, $0x38;
	[tilespmem:$0x18B00] =	vst v63  }
0x85: {  	p0 =	sne.s32 s0, $0x1F000;
	s25 =	sadd.s32 $0x10900, s2;
	s26 =	spop (v2sf)  }
0x86: {  	[tilespmem:s25], [sflag:$0x3] =	stream.linear.gather [hbm4b:s26+s3], $0x40, $0x38;
	[tilespmem:$0x18B00] =	vst v63  }
.Ltmp2:
0x87: {  	s0 =	sadd.s32 $0x1000, s0;
	s29 =	spop (v2sf);
	(pc) =	sbr.rel @p0 .LBB2_2-.Ltmp2, $4  }
0x88: {  	s1 =	sadd.s32 $0x10, s1;
	s28 =	sadd.s32 $0x10940, s2;
	s31 =	spop (v2sf)  }
0x89: {  	[tilespmem:s28], [sflag:$0x3] =	stream.linear.gather [hbm4b:s29+s3], $0x40, $0x38;
	[tilespmem:$0x18B00] =	vst v63  }
0x8a: {  	s30 =	sadd.s32 $0x10980, s2;
	s2 =	sadd.s32 $0x109C0, s2;
	s4 =	spop (v2sf)  }
0x8b: {  	[tilespmem:s30], [sflag:$0x3] =	stream.linear.gather [hbm4b:s31+s3], $0x40, $0x38;
	[tilespmem:$0x18B00] =	vst v63  }
0x8c: {  	[tilespmem:s2], [sflag:$0x3] =	stream.linear.gather [hbm4b:s4+s3], $0x40, $0x38;
	[tilespmem:$0x18B00] =	vst v63  }
0x8d: {  	s0 =	simm.s32 $0x3  }
0x8e: {  	_ =	swait.ge [sflag:s0], $0x8000  }
0x8f: {  	[sflag:s0] =	ssyncset.done $0x0  }
0x90: {  	s31 =	simm.s32 $0x4;
	[sflag:s0] =	ssyncadd.s32 $0xFFFF8000  }
0x91: {  	_ =	swait.ge [sflag:s31], $0x80  }
0x92: {  	[sflag:s31] =	ssyncset.done $0x0  }
.Ltmp3:
0x93: {  	[sflag:s31] =	ssyncadd.s32 $0xFFFFFF80;
	(pc) =	sbr.rel .LBB2_4-.Ltmp3, $4  }
0x94: {  	_ =	swait.ge [sflag:s31], $0x80  }
0x95: {  	[sflag:s31] =	ssyncset.done $0x0  }
0x96: {  	[sflag:s31] =	ssyncadd.s32 $0xFFFFFF80  }
0x97: {  	p0 =	por $0x0, $0x0;
	s24 =	simm.s32 $0x0;
	s6 =	simm.s32 $0x0;
	v2 =	vld [tilespmem:$0x18A80]  }
.LBB2_17:
0x98: {  	s6 =	sadd.s32 $0x1, s6  }
0x99: {  	p1 =	sne.s32 s6, $0x5  }
.Ltmp4:
0x9a: {  	_ = 	snop;
	(pc) =	sbr.rel @!p1 .LBB2_18-.Ltmp4, $2  }
0x9b: {  	_ =	sdelay $0x2  }
0x9c: {  	p0 =	por !p0, !p0;
	s24 =	sadd.s32 $0x100, s24  }
.LBB2_4:
0x9d: {  	p1 =	seq.s32 s6, $0x0  }
0x9e: {  	s0 =	simm.s32 @!p1 $0x2;
	p2 =	seq.s32 @!p1 s6, $0x4  }
0x9f: {  	_ =	swait.ge @!p1 [sflag:s0], $0x4000;
	p2 =	por p1, !p2  }
.Ltmp5:
0xa0: {  	[sflag:s0] =	ssyncset.done @!p1 $0x0;
	(pc) =	sbr.rel @!p2 .LBB2_8-.Ltmp5, $4  }
0xa1: {  	[sflag:s0] =	ssyncadd.s32 @!p1 $0xFFFFC000  }
0xa2: {  	_ =	swait.ge @!p1 [sflag:s0], $0x4000  }
0xa3: {  	[sflag:s0] =	ssyncset.done @!p1 $0x0  }
0xa4: {  	[sflag:s0] =	ssyncadd.s32 @!p1 $0xFFFFC000  }
0xa5: {  	s0 =	simm.s32 $0x0;
	s1 =	sadd.s32 $0x0, s24  }
0xa6: {  	s1 =	sand.u32 $0x180, s1;
	s0 =	sand.u32 $0x70, s0  }
0xa7: {  	s0 =	sor.u32 s0, s1  }
0xa8: {  	p2 =	slt.u32 s6, $0x2;
	s1 =	sor.u32 $0x400, s0  }
0xa9: {  	s1 =	smov.u32 @p2 s0  }
0xaa: {  	v3 =	vld [tilespmem:s1+$0x0];
	_ =	sdelay $0x2  }
0xab: {  	s0 =	simm.s32 $0x1  }
0xac: {  	s0 =	simm.s32 @!p0 $0x0  }
0xad: {  	s0 =	sshll.u32 s0, $0xF;
	v3 =	vshll.u32 v3, $0x4  }
0xae: {  	[dreg:$0x13] =	wrdreg s6;
	s0 =	sor.u32 $0x600, s0;
	(v2sf) =	vpush v3, $0x0  }
0xaf: {  	s25 =	sadd.s32 $0x10, s24;
	[dreg:$0xb] =	wrdreg s0;
	(v2sf) =	vpush v3, $0x1  }
0xb0: {  	s26 =	simm.s32 $0x2000;
	s30 =	sand.u32 $0x180, s25;
	s0 =	rddreg [dreg:$0xb];
	(v2sf) =	vpush v3, $0x2  }
0xb1: {  	s1 =	simm.s32 $0x4000;
	s9 =	sadd.s32 $0x0, s0;
	s0 =	simm.s32 $0x10;
	(v2sf) =	vpush v3, $0x3  }
0xb2: {  	s29 =	sadd.s32 $0x680, s9;
	s28 =	sadd.s32 $0x780, s9;
	s2 =	sadd.s32 $0x500, s9;
	(v2sf) =	vpush v3, $0x4  }
0xb3: {  	s4 =	sadd.s32 $0x580, s9;
	s31 =	sadd.s32 $0x600, s9;
	s20 =	sadd.s32 $0x380, s9;
	(v2sf) =	vpush v3, $0x5  }
0xb4: {  	s14 =	sadd.s32 $0x400, s9;
	s12 =	sadd.s32 $0x480, s9;
	s6 =	sadd.s32 $0x280, s9;
	(v2sf) =	vpush v3, $0x6  }
.LBB2_6:
0xb5: {  	_ =	sdelay $0x4  }
0xb6: {  	(v2sf) =	vpush v3, $0x7;
	_ =	sdelay $0x1  }
0xb7: {  	s10 =	sadd.s32 $0x180, s9;
	s11 =	sadd.s32 $0x200, s9;
	s16 =	sadd.s32 $0x80, s9;
	(v2sf) =	vpush v3, $0x8  }
0xb8: {  	s17 =	sadd.s32 $0x300, s9;
	s7 =	sadd.s32 $0x700, s9;
	s15 =	spop (v2sf)  }
0xb9: {  	s21 =	sadd.s32 $0x100, s9;
	s15 =	sand.u32 $0x1FFFFFF0, s15;
	s23 =	spop (v2sf);
	(v2sf) =	vpush v3, $0x9  }
0xba: {  	s15 =	sadd.s32 s5, s15;
	s23 =	sand.u32 $0x1FFFFFF0, s23;
	s25 =	spop (v2sf)  }
0xbb: {  	(v2sf) =	vpush v3, $0xA;
	[tilespmem:s9], [sflag:$0x2] =	stream.linear.gather [hbm4b:s15+s3], $0x80, $0x38;
	[tilespmem:$0x18B00] =	vst v63  }
0xbc: {  	s15 =	sadd.s32 s5, s23;
	s23 =	sand.u32 $0x1FFFFFF0, s25;
	s25 =	spop (v2sf)  }
0xbd: {  	(v2sf) =	vpush v3, $0xB;
	[tilespmem:s16], [sflag:$0x2] =	stream.linear.gather [hbm4b:s15+s3], $0x80, $0x38;
	[tilespmem:$0x18B00] =	vst v63  }
0xbe: {  	s16 =	sadd.s32 s5, s23;
	s23 =	sand.u32 $0x1FFFFFF0, s25;
	s25 =	spop (v2sf)  }
0xbf: {  	(v2sf) =	vpush v3, $0xC;
	[tilespmem:s21], [sflag:$0x2] =	stream.linear.gather [hbm4b:s16+s3], $0x80, $0x38;
	[tilespmem:$0x18B00] =	vst v63  }
0xc0: {  	s21 =	sadd.s32 s5, s23;
	s23 =	sand.u32 $0x1FFFFFF0, s25;
	s25 =	spop (v2sf)  }
0xc1: {  	(v2sf) =	vpush v3, $0xD;
	[tilespmem:s10], [sflag:$0x2] =	stream.linear.gather [hbm4b:s21+s3], $0x80, $0x38;
	[tilespmem:$0x18B00] =	vst v63  }
0xc2: {  	s15 =	sand.u32 $0x1FFFFFF0, s25;
	s16 =	spop (v2sf);
	s10 =	sadd.s32 s5, s23  }
0xc3: {  	(v2sf) =	vpush v3, $0xE;
	[tilespmem:s11], [sflag:$0x2] =	stream.linear.gather [hbm4b:s10+s3], $0x80, $0x38;
	[tilespmem:$0x18B00] =	vst v63  }
0xc4: {  	s21 =	sadd.s32 s5, s15;
	s23 =	sand.u32 $0x1FFFFFF0, s16;
	s25 =	spop (v2sf)  }
0xc5: {  	[tilespmem:s6], [sflag:$0x2] =	stream.linear.gather [hbm4b:s21+s3], $0x80, $0x38;
	[tilespmem:$0x18B00] =	vst v63  }
0xc6: {  	s15 =	sand.u32 $0x1FFFFFF0, s25;
	s16 =	spop (v2sf);
	s10 =	sadd.s32 s5, s23  }
0xc7: {  	(v2sf) =	vpush v3, $0xF;
	[tilespmem:s17], [sflag:$0x2] =	stream.linear.gather [hbm4b:s10+s3], $0x80, $0x38;
	[tilespmem:$0x18B00] =	vst v63  }
0xc8: {  	s23 =	sand.u32 $0x1FFFFFF0, s16;
	s21 =	sadd.s32 s5, s15;
	s25 =	spop (v2sf)  }
0xc9: {  	[tilespmem:s20], [sflag:$0x2] =	stream.linear.gather [hbm4b:s21+s3], $0x80, $0x38;
	[tilespmem:$0x18B00] =	vst v63  }
0xca: {  	s9 =	sadd.s32 s5, s23;
	s11 =	sand.u32 $0x1FFFFFF0, s25;
	s15 =	spop (v2sf)  }
0xcb: {  	[tilespmem:s14], [sflag:$0x2] =	stream.linear.gather [hbm4b:s9+s3], $0x80, $0x38;
	[tilespmem:$0x18B00] =	vst v63  }
0xcc: {  	s16 =	sadd.s32 s5, s11;
	s17 =	sand.u32 $0x1FFFFFF0, s15;
	s20 =	spop (v2sf)  }
0xcd: {  	[tilespmem:s12], [sflag:$0x2] =	stream.linear.gather [hbm4b:s16+s3], $0x80, $0x38;
	[tilespmem:$0x18B00] =	vst v63  }
0xce: {  	s21 =	sadd.s32 s5, s17;
	s23 =	sand.u32 $0x1FFFFFF0, s20;
	s25 =	spop (v2sf)  }
0xcf: {  	[tilespmem:s2], [sflag:$0x2] =	stream.linear.gather [hbm4b:s21+s3], $0x80, $0x38;
	[tilespmem:$0x18B00] =	vst v63  }
0xd0: {  	s9 =	sadd.s32 s5, s23;
	s10 =	sand.u32 $0x1FFFFFF0, s25;
	s11 =	spop (v2sf)  }
0xd1: {  	[tilespmem:s4], [sflag:$0x2] =	stream.linear.gather [hbm4b:s9+s3], $0x80, $0x38;
	[tilespmem:$0x18B00] =	vst v63  }
0xd2: {  	s12 =	sadd.s32 s5, s10;
	s14 =	sand.u32 $0x1FFFFFF0, s11;
	s15 =	spop (v2sf)  }
0xd3: {  	[tilespmem:s31], [sflag:$0x2] =	stream.linear.gather [hbm4b:s12+s3], $0x80, $0x38;
	[tilespmem:$0x18B00] =	vst v63  }
0xd4: {  	s8 =	sand.u32 $0x70, s0;
	s16 =	sadd.s32 s5, s14;
	s17 =	sand.u32 $0x1FFFFFF0, s15  }
0xd5: {  	[tilespmem:s29], [sflag:$0x2] =	stream.linear.gather [hbm4b:s16+s3], $0x80, $0x38;
	[tilespmem:$0x18B00] =	vst v63  }
0xd6: {  	s2 =	sor.u32 s8, s30;
	s20 =	spop (v2sf);
	s4 =	sadd.s32 s5, s17  }
0xd7: {  	[tilespmem:s7], [sflag:$0x2] =	stream.linear.gather [hbm4b:s4+s3], $0x80, $0x38;
	[tilespmem:$0x18B00] =	vst v63  }
0xd8: {  	s6 =	sand.u32 $0x1FFFFFF0, s20;
	s4 =	sor.u32 $0x400, s2  }
0xd9: {  	s6 =	sadd.s32 s5, s6;
	s4 =	smov.u32 @p2 s2  }
0xda: {  	[tilespmem:s28], [sflag:$0x2] =	stream.linear.gather [hbm4b:s6+s3], $0x80, $0x38;
	[tilespmem:$0x18B00] =	vst v63  }
0xdb: {  	v3 =	vld [tilespmem:s4+$0x0];
	_ =	sdelay $0x4  }
0xdc: {  	v3 =	vshll.u32 v3, $0x4  }
0xdd: {  	p3 =	sne.s32 s1, $0x1E000;
	s22 =	smov.u32 s1;
	(v2sf) =	vpush v3, $0x0  }
0xde: {  	s1 =	sadd.s32 $0x2000, s1;
	s0 =	sadd.s32 $0x10, s0;
	s23 =	sshra.s32 s26, $0x2;
	(v2sf) =	vpush v3, $0x1  }
.Ltmp6:
0xdf: {  	s25 =	sadd.s32 s0, s24;
	s21 =	rddreg [dreg:$0xb];
	(v2sf) =	vpush v3, $0x2;
	(pc) =	sbr.rel @p3 .LBB2_6-.Ltmp6, $4  }
0xe0: {  	s26 =	smov.u32 s22;
	s30 =	sand.u32 $0x180, s25;
	s9 =	sadd.s32 s23, s21;
	(v2sf) =	vpush v3, $0x3  }
0xe1: {  	s20 =	sadd.s32 $0x380, s9;
	s14 =	sadd.s32 $0x400, s9;
	s31 =	sadd.s32 $0x600, s9;
	(v2sf) =	vpush v3, $0x4  }
0xe2: {  	s12 =	sadd.s32 $0x480, s9;
	s29 =	sadd.s32 $0x680, s9;
	s2 =	sadd.s32 $0x500, s9;
	(v2sf) =	vpush v3, $0x5  }
0xe3: {  	s28 =	sadd.s32 $0x780, s9;
	s6 =	sadd.s32 $0x280, s9;
	s4 =	sadd.s32 $0x580, s9;
	(v2sf) =	vpush v3, $0x6  }
0xe4: {  	_ =	sdelay $0x4  }
0xe5: {  	(v2sf) =	vpush v3, $0x7;
	_ =	sdelay $0x1  }
0xe6: {  	s7 =	sadd.s32 $0x180, s9;
	s8 =	sadd.s32 $0x200, s9;
	s10 =	sadd.s32 $0x80, s9;
	(v2sf) =	vpush v3, $0x8  }
0xe7: {  	s11 =	sadd.s32 $0x300, s9;
	s1 =	sadd.s32 $0x700, s9;
	s15 =	spop (v2sf)  }
0xe8: {  	s16 =	sadd.s32 $0x100, s9;
	s15 =	sand.u32 $0x1FFFFFF0, s15;
	s17 =	spop (v2sf);
	(v2sf) =	vpush v3, $0x9  }
0xe9: {  	s15 =	sadd.s32 s5, s15;
	s17 =	sand.u32 $0x1FFFFFF0, s17;
	s21 =	spop (v2sf)  }
0xea: {  	(v2sf) =	vpush v3, $0xA;
	[tilespmem:s9], [sflag:$0x2] =	stream.linear.gather [hbm4b:s15+s3], $0x80, $0x38;
	[tilespmem:$0x18B00] =	vst v63  }
0xeb: {  	s22 =	sadd.s32 s5, s17;
	s23 =	sand.u32 $0x1FFFFFF0, s21;
	s25 =	spop (v2sf)  }
0xec: {  	(v2sf) =	vpush v3, $0xB;
	[tilespmem:s10], [sflag:$0x2] =	stream.linear.gather [hbm4b:s22+s3], $0x80, $0x38;
	[tilespmem:$0x18B00] =	vst v63  }
0xed: {  	s15 =	sadd.s32 s5, s23;
	s17 =	sand.u32 $0x1FFFFFF0, s25;
	s21 =	spop (v2sf)  }
0xee: {  	(v2sf) =	vpush v3, $0xC;
	[tilespmem:s16], [sflag:$0x2] =	stream.linear.gather [hbm4b:s15+s3], $0x80, $0x38;
	[tilespmem:$0x18B00] =	vst v63  }
0xef: {  	s22 =	sadd.s32 s5, s17;
	s23 =	sand.u32 $0x1FFFFFF0, s21;
	s25 =	spop (v2sf)  }
0xf0: {  	(v2sf) =	vpush v3, $0xD;
	[tilespmem:s7], [sflag:$0x2] =	stream.linear.gather [hbm4b:s22+s3], $0x80, $0x38;
	[tilespmem:$0x18B00] =	vst v63  }
0xf1: {  	s17 =	sand.u32 $0x1FFFFFF0, s25;
	s21 =	spop (v2sf);
	s16 =	sadd.s32 s5, s23  }
0xf2: {  	(v2sf) =	vpush v3, $0xE;
	[tilespmem:s8], [sflag:$0x2] =	stream.linear.gather [hbm4b:s16+s3], $0x80, $0x38;
	[tilespmem:$0x18B00] =	vst v63  }
0xf3: {  	s23 =	sand.u32 $0x1FFFFFF0, s21;
	s25 =	spop (v2sf);
	s22 =	sadd.s32 s5, s17  }
0xf4: {  	[tilespmem:s6], [sflag:$0x2] =	stream.linear.gather [hbm4b:s22+s3], $0x80, $0x38;
	[tilespmem:$0x18B00] =	vst v63  }
0xf5: {  	s9 =	sand.u32 $0x1FFFFFF0, s25;
	s10 =	spop (v2sf);
	s8 =	sadd.s32 s5, s23  }
0xf6: {  	(v2sf) =	vpush v3, $0xF;
	[tilespmem:s11], [sflag:$0x2] =	stream.linear.gather [hbm4b:s8+s3], $0x80, $0x38;
	[tilespmem:$0x18B00] =	vst v63  }
0xf7: {  	s15 =	sand.u32 $0x1FFFFFF0, s10;
	s11 =	sadd.s32 s5, s9;
	s16 =	spop (v2sf)  }
0xf8: {  	[tilespmem:s20], [sflag:$0x2] =	stream.linear.gather [hbm4b:s11+s3], $0x80, $0x38;
	[tilespmem:$0x18B00] =	vst v63  }
0xf9: {  	s17 =	sadd.s32 s5, s15;
	s20 =	sand.u32 $0x1FFFFFF0, s16;
	s21 =	spop (v2sf)  }
0xfa: {  	[tilespmem:s14], [sflag:$0x2] =	stream.linear.gather [hbm4b:s17+s3], $0x80, $0x38;
	[tilespmem:$0x18B00] =	vst v63  }
0xfb: {  	s22 =	sadd.s32 s5, s20;
	s23 =	sand.u32 $0x1FFFFFF0, s21;
	s25 =	spop (v2sf)  }
0xfc: {  	[tilespmem:s12], [sflag:$0x2] =	stream.linear.gather [hbm4b:s22+s3], $0x80, $0x38;
	[tilespmem:$0x18B00] =	vst v63  }
0xfd: {  	s7 =	sadd.s32 s5, s23;
	s8 =	sand.u32 $0x1FFFFFF0, s25;
	s9 =	spop (v2sf)  }
0xfe: {  	[tilespmem:s2], [sflag:$0x2] =	stream.linear.gather [hbm4b:s7+s3], $0x80, $0x38;
	[tilespmem:$0x18B00] =	vst v63  }
0xff: {  	s10 =	sadd.s32 s5, s8;
	s11 =	sand.u32 $0x1FFFFFF0, s9;
	s12 =	spop (v2sf)  }
0x100: {  	[tilespmem:s4], [sflag:$0x2] =	stream.linear.gather [hbm4b:s10+s3], $0x80, $0x38;
	[tilespmem:$0x18B00] =	vst v63  }
0x101: {  	s14 =	sadd.s32 s5, s11;
	s15 =	sand.u32 $0x1FFFFFF0, s12;
	s16 =	spop (v2sf)  }
0x102: {  	[tilespmem:s31], [sflag:$0x2] =	stream.linear.gather [hbm4b:s14+s3], $0x80, $0x38;
	[tilespmem:$0x18B00] =	vst v63  }
0x103: {  	s0 =	sand.u32 $0x70, s0;
	s17 =	sadd.s32 s5, s15;
	s20 =	sand.u32 $0x1FFFFFF0, s16  }
0x104: {  	[tilespmem:s29], [sflag:$0x2] =	stream.linear.gather [hbm4b:s17+s3], $0x80, $0x38;
	[tilespmem:$0x18B00] =	vst v63  }
0x105: {  	s0 =	sor.u32 s0, s30;
	s21 =	spop (v2sf);
	s22 =	sadd.s32 s5, s20  }
0x106: {  	[tilespmem:s1], [sflag:$0x2] =	stream.linear.gather [hbm4b:s22+s3], $0x80, $0x38;
	[tilespmem:$0x18B00] =	vst v63  }
0x107: {  	s23 =	sand.u32 $0x1FFFFFF0, s21;
	s1 =	sor.u32 $0x400, s0  }
0x108: {  	s25 =	sadd.s32 s5, s23;
	s1 =	smov.u32 @p2 s0  }
0x109: {  	[tilespmem:s28], [sflag:$0x2] =	stream.linear.gather [hbm4b:s25+s3], $0x80, $0x38;
	[tilespmem:$0x18B00] =	vst v63  }
0x10a: {  	v3 =	vld [tilespmem:s1+$0x0];
	_ =	sdelay $0x4  }
0x10b: {  	v3 =	vshll.u32 v3, $0x4  }
0x10c: {  	(v2sf) =	vpush v3, $0x0  }
0x10d: {  	(v2sf) =	vpush v3, $0x1  }
0x10e: {  	(v2sf) =	vpush v3, $0x2;
	_ =	sdelay $0x1  }
0x10f: {  	(v2sf) =	vpush v3, $0x3;
	_ =	sdelay $0x1  }
0x110: {  	(v2sf) =	vpush v3, $0x4;
	_ =	sdelay $0x1  }
0x111: {  	(v2sf) =	vpush v3, $0x5;
	_ =	sdelay $0x1  }
0x112: {  	s30 =	sshra.s32 s26, $0x2;
	s29 =	rddreg [dreg:$0xb];
	(v2sf) =	vpush v3, $0x6  }
0x113: {  	s0 =	sadd.s32 s30, s29  }
0x114: {  	s6 =	sadd.s32 $0x500, s0;
	s4 =	sadd.s32 $0x580, s0;
	(v2sf) =	vpush v3, $0x7  }
0x115: {  	s7 =	sadd.s32 $0x380, s0;
	s8 =	sadd.s32 $0x400, s0;
	s9 =	sadd.s32 $0x480, s0  }
0x116: {  	s10 =	sadd.s32 $0x280, s0;
	s11 =	sadd.s32 $0x180, s0;
	s12 =	sadd.s32 $0x200, s0;
	(v2sf) =	vpush v3, $0x8  }
0x117: {  	s31 =	sadd.s32 $0x80, s0;
	s15 =	sadd.s32 $0x300, s0;
	s21 =	spop (v2sf)  }
0x118: {  	s17 =	sadd.s32 $0x100, s0;
	(v2sf) =	vpush v3, $0x9;
	s16 =	sand.u32 $0x1FFFFFF0, s21;
	s22 =	spop (v2sf)  }
0x119: {  	s16 =	sadd.s32 s5, s16;
	s20 =	sand.u32 $0x1FFFFFF0, s22;
	s23 =	spop (v2sf)  }
0x11a: {  	(v2sf) =	vpush v3, $0xA;
	[tilespmem:s0], [sflag:$0x2] =	stream.linear.gather [hbm4b:s16+s3], $0x80, $0x38;
	[tilespmem:$0x18B00] =	vst v63  }
0x11b: {  	s25 =	sadd.s32 s5, s20;
	s26 =	sand.u32 $0x1FFFFFF0, s23;
	s28 =	spop (v2sf)  }
0x11c: {  	(v2sf) =	vpush v3, $0xB;
	[tilespmem:s31], [sflag:$0x2] =	stream.linear.gather [hbm4b:s25+s3], $0x80, $0x38;
	[tilespmem:$0x18B00] =	vst v63  }
0x11d: {  	s29 =	sadd.s32 s5, s26;
	s30 =	sand.u32 $0x1FFFFFF0, s28;
	s31 =	spop (v2sf)  }
0x11e: {  	(v2sf) =	vpush v3, $0xC;
	[tilespmem:s17], [sflag:$0x2] =	stream.linear.gather [hbm4b:s29+s3], $0x80, $0x38;
	[tilespmem:$0x18B00] =	vst v63  }
0x11f: {  	s21 =	sadd.s32 s5, s30;
	s22 =	sand.u32 $0x1FFFFFF0, s31;
	s23 =	spop (v2sf)  }
0x120: {  	(v2sf) =	vpush v3, $0xD;
	[tilespmem:s11], [sflag:$0x2] =	stream.linear.gather [hbm4b:s21+s3], $0x80, $0x38;
	[tilespmem:$0x18B00] =	vst v63  }
0x121: {  	s25 =	sadd.s32 s5, s22;
	s26 =	sand.u32 $0x1FFFFFF0, s23;
	s28 =	spop (v2sf)  }
0x122: {  	[tilespmem:s12], [sflag:$0x2] =	stream.linear.gather [hbm4b:s25+s3], $0x80, $0x38;
	[tilespmem:$0x18B00] =	vst v63  }
0x123: {  	s29 =	sadd.s32 s5, s26;
	s30 =	sand.u32 $0x1FFFFFF0, s28;
	s31 =	spop (v2sf)  }
0x124: {  	(v2sf) =	vpush v3, $0xE;
	[tilespmem:s10], [sflag:$0x2] =	stream.linear.gather [hbm4b:s29+s3], $0x80, $0x38;
	[tilespmem:$0x18B00] =	vst v63  }
0x125: {  	s16 =	sadd.s32 s5, s30;
	s17 =	sand.u32 $0x1FFFFFF0, s31;
	s20 =	spop (v2sf)  }
0x126: {  	(v2sf) =	vpush v3, $0xF;
	[tilespmem:s15], [sflag:$0x2] =	stream.linear.gather [hbm4b:s16+s3], $0x80, $0x38;
	[tilespmem:$0x18B00] =	vst v63  }
0x127: {  	s21 =	sadd.s32 s5, s17;
	s22 =	sand.u32 $0x1FFFFFF0, s20;
	s23 =	spop (v2sf)  }
0x128: {  	[tilespmem:s7], [sflag:$0x2] =	stream.linear.gather [hbm4b:s21+s3], $0x80, $0x38;
	[tilespmem:$0x18B00] =	vst v63  }
0x129: {  	s25 =	sadd.s32 s5, s22;
	s26 =	sand.u32 $0x1FFFFFF0, s23;
	s28 =	spop (v2sf)  }
0x12a: {  	[tilespmem:s8], [sflag:$0x2] =	stream.linear.gather [hbm4b:s25+s3], $0x80, $0x38;
	[tilespmem:$0x18B00] =	vst v63  }
0x12b: {  	s29 =	sadd.s32 s5, s26;
	s30 =	sand.u32 $0x1FFFFFF0, s28;
	s31 =	spop (v2sf)  }
0x12c: {  	[tilespmem:s9], [sflag:$0x2] =	stream.linear.gather [hbm4b:s29+s3], $0x80, $0x38;
	[tilespmem:$0x18B00] =	vst v63  }
0x12d: {  	s11 =	sadd.s32 s5, s30;
	s12 =	sand.u32 $0x1FFFFFF0, s31;
	s14 =	spop (v2sf)  }
0x12e: {  	[tilespmem:s6], [sflag:$0x2] =	stream.linear.gather [hbm4b:s11+s3], $0x80, $0x38;
	[tilespmem:$0x18B00] =	vst v63  }
0x12f: {  	s15 =	sadd.s32 s5, s12;
	s16 =	sand.u32 $0x1FFFFFF0, s14;
	s17 =	spop (v2sf)  }
0x130: {  	[tilespmem:s4], [sflag:$0x2] =	stream.linear.gather [hbm4b:s15+s3], $0x80, $0x38;
	[tilespmem:$0x18B00] =	vst v63  }
0x131: {  	s2 =	sadd.s32 $0x600, s0;
	s20 =	sadd.s32 s5, s16;
	s21 =	sand.u32 $0x1FFFFFF0, s17  }
0x132: {  	[tilespmem:s2], [sflag:$0x2] =	stream.linear.gather [hbm4b:s20+s3], $0x80, $0x38;
	[tilespmem:$0x18B00] =	vst v63  }
0x133: {  	s1 =	sadd.s32 $0x680, s0;
	s22 =	spop (v2sf);
	s23 =	sadd.s32 s5, s21  }
0x134: {  	[tilespmem:s1], [sflag:$0x2] =	stream.linear.gather [hbm4b:s23+s3], $0x80, $0x38;
	[tilespmem:$0x18B00] =	vst v63  }
.Ltmp7:
0x135: {  	s25 =	sand.u32 $0x1FFFFFF0, s22;
	s26 =	spop (v2sf);
	(pc) =	sbr.rel @p1 .LBB2_17-.Ltmp7, $4  }
0x136: {  	s28 =	sadd.s32 $0x700, s0;
	s29 =	sadd.s32 s5, s25;
	s30 =	sand.u32 $0x1FFFFFF0, s26  }
0x137: {  	[tilespmem:s28], [sflag:$0x2] =	stream.linear.gather [hbm4b:s29+s3], $0x80, $0x38;
	[tilespmem:$0x18B00] =	vst v63  }
0x138: {  	s0 =	sadd.s32 $0x780, s0;
	s6 =	rddreg [dreg:$0x13];
	s31 =	sadd.s32 s5, s30  }
0x139: {  	[tilespmem:s0], [sflag:$0x2] =	stream.linear.gather [hbm4b:s31+s3], $0x80, $0x38;
	[tilespmem:$0x18B00] =	vst v63  }
.LBB2_8:
.Ltmp8:
0x13a: {  	s0 =	sxor.u32 $0xFFFFFFFF, s6;
	(pc) =	sbr.rel .LBB2_9-.Ltmp8, $4  }
0x13b: {  	s0 =	sand.u32 $0x1, s0  }
0x13c: {  	v3 =	vmov s0  }
0x13d: {  	s26 =	sshll.u32 s0, $0x8;
	v3 =	vshll.u32 v3, $0xF  }
0x13e: {  	s28 =	simm.s32 $0x0;
	p1 =	sgt.u32 s6, $0x2;
	s29 =	simm.s32 $0x0;
	v4 =	vor.u32 s26, v0;
	v3 =	vbroadcast v3, $0x0  }
.LBB2_15:
0x13f: {  	_ =	sdelay $0x3  }
0x140: {  	v19 =	vld.idx.msk [tilespmem:v19+s18+$0x0], $0xffff;
	v21 =	vmov s2;
	s0 =	sadd.s32 $0x3, s0  }
0x141: {  	v17 =	vld.idx.msk [tilespmem:v17+s13+$0x0], $0xffff;
	v5 =	vor.u32 s0, v5  }
0x142: {  	v16 =	vld.idx.msk [tilespmem:v16+s18+$0x0], $0xffff;
	v22 =	vmov s0  }
0x143: {  	v20 =	vld.idx.msk [tilespmem:v20+s13+$0x0], $0xffff  }
0x144: {  	v18 =	vld.idx.msk [tilespmem:v18+s18+$0x0], $0xffff  }
0x145: {  	v11 =	vmul.f32 v14, v11;
	v59 =	vld.idx.msk [tilespmem:v21+s13+$0x0], $0xffff  }
0x146: {  	v9 =	vmul.f32 v12, v9;
	v5 =	vld.idx.msk [tilespmem:v5+s18+$0x0], $0xffff  }
0x147: {  	v7 =	vmul.f32 v8, v7;
	v6 =	vadd.f32 v11, v6;
	v60 =	vld.idx.msk [tilespmem:v22+s13+$0x0], $0xffff  }
0x148: {  	v10 =	vmul.f32 v13, v10;
	v9 =	vadd.f32 v9, v15  }
0x149: {  	v6 =	vadd.f32 v7, v6  }
0x14a: {  	v7 =	vadd.f32 v10, v9;
	v61 =	vmul.f32 v17, v19;
	v62 =	vmul.f32 v59, v18  }
0x14b: {  	v63 =	vmul.f32 v20, v16  }
0x14c: {  	v6 =	vadd.f32 v61, v6;
	v5 =	vmul.f32 v60, v5;
	v7 =	vadd.f32 v62, v7;
	_ =	sdelay $0x1  }
0x14d: {  	v6 =	vadd.f32 v63, v6;
	v5 =	vadd.f32 v5, v7;
	_ =	sdelay $0x1  }
0x14e: {  	v5 =	vadd.f32 v5, v6;
	_ =	sdelay $0x1  }
0x14f: {  	s0 =	simm.s32 $0x18800;
	v5 =	vadd.f32 v5, v2  }
.LBB2_16:
0x150: {  	_ = 	snop  }
0x151: {  	v5 =	vsub.f32 $0.0e+00, v5;
	_ =	sdelay $0x1  }
0x152: {  	v5 =	vmul.f32 $1.442695020e+00, v5;
	_ =	sdelay $0x1  }
0x153: {  	(erf) = vpow2.f32 v5;
	_ =	sdelay $0x8  }
0x154: {  	v5 =	vpop (erf)  }
0x155: {  	v5 =	vadd.f32 $1.000000000e+00, v5;
	_ =	sdelay $0x1  }
0x156: {  	(erf) = vrcp.f32 v5;
	_ =	sdelay $0x3  }
0x157: {  	s29 =	sadd.s32 $0x1, s29  }
0x158: {  	p2 =	sne.s32 s29, $0x10  }
.Ltmp9:
0x159: {  	s1 =	sand.u32 $0x180, s30;
	(pc) =	sbr.rel @!p2 .LBB2_17-.Ltmp9, $4  }
0x15a: {  	s1 =	sor.u32 s26, s1  }
0x15b: {  	s2 =	sand.u32 $0x70, s30;
	s0 =	sadd.s32 s1, s0  }
0x15c: {  	s0 =	sadd.s32 s2, s0;
	v5 =	vpop (erf)  }
0x15d: {  	[tilespmem:s0+$0x0] =	vst v5  }
.LBB2_9:
.Ltmp10:
0x15e: {  	s30 =	sshll.u32 s29, $0x4;
	(pc) =	sbr.rel @p1 .LBB2_13-.Ltmp10, $4  }
0x15f: {  	v5 =	vmov s30  }
0x160: {  	v5 =	vshll.u32 v5, $0x7  }
0x161: {  	v5 =	vor.u32 v1, v5  }
0x162: {  	v6 =	vimm.f32 $0.0e+00;
	v5 =	vadd.s32 v3, v5  }
0x163: {  	v8 =	vor.u32 s28, v5;
	s0 =	simm.s32 $0x2  }
0x164: {  	v7 =	vor.u32 s30, v4;
	s1 =	simm.s32 $0x1;
	v10 =	vor.u32 s0, v5  }
0x165: {  	v7 =	vshll.u32 v7, $0x6;
	v13 =	vor.u32 s1, v5  }
0x166: {  	v9 =	vor.u32 s28, v7  }
0x167: {  	v11 =	vor.u32 s0, v7  }
0x168: {  	s25 =	simm.s32 $0x3;
	v14 =	vor.u32 s1, v7;
	v12 =	vld.idx.msk [tilespmem:v8+s18+$0x0], $0xffff  }
0x169: {  	v16 =	vor.u32 s25, v5;
	v8 =	vld.idx.msk [tilespmem:v10+s18+$0x0], $0xffff  }
0x16a: {  	v22 =	vor.u32 s25, v7;
	s0 =	simm.s32 $0x4;
	v10 =	vld.idx.msk [tilespmem:v13+s18+$0x0], $0xffff  }
0x16b: {  	v20 =	vor.u32 s0, v5;
	v15 =	vld.idx.msk [tilespmem:v9+s19+$0x0], $0xffff  }
0x16c: {  	s31 =	simm.s32 $0x6;
	v18 =	vor.u32 s0, v7;
	v9 =	vld.idx.msk [tilespmem:v11+s19+$0x0], $0xffff  }
0x16d: {  	v17 =	vor.u32 s31, v5;
	v13 =	vld.idx.msk [tilespmem:v14+s19+$0x0], $0xffff  }
0x16e: {  	s2 =	simm.s32 $0x5;
	v21 =	vor.u32 s31, v7;
	v11 =	vld.idx.msk [tilespmem:v16+s18+$0x0], $0xffff  }
0x16f: {  	v19 =	vor.u32 s2, v5;
	s1 =	simm.s32 $0x8;
	v14 =	vld.idx.msk [tilespmem:v22+s19+$0x0], $0xffff;
	v16 =	vimm.f32 $0.0e+00  }
.LBB2_11:
0x170: {  	p2 =	sne.s32 s1, $0x3C;
	v22 =	vld.idx.msk [tilespmem:v20+s18+$0x0], $0xffff;
	v23 =	vor.u32 s2, v7;
	s2 =	sadd.s32 $0x3, s0;
	v24 =	vmov v8;
	s0 =	smov.u32 s1  }
0x171: {  	v27 =	vmov v9;
	v25 =	vld.idx.msk [tilespmem:v18+s19+$0x0], $0xffff;
	v26 =	vor.u32 s2, v5  }
0x172: {  	v28 =	vor.u32 s2, v7;
	v8 =	vld.idx.msk [tilespmem:v17+s18+$0x0], $0xffff  }
.Ltmp11:
0x173: {  	v20 =	vor.u32 s1, v5;
	s4 =	sadd.s32 $0x2, s1;
	v29 =	vmul.f32 v15, v12;
	v15 =	vmul.f32 v13, v10;
	v9 =	vld.idx.msk [tilespmem:v21+s19+$0x0], $0xffff;
	(pc) =	sbr.rel @p2 .LBB2_11-.Ltmp11, $4  }
0x174: {  	v18 =	vor.u32 s1, v7;
	v24 =	vmul.f32 v27, v24;
	v17 =	vor.u32 s4, v5;
	v10 =	vld.idx.msk [tilespmem:v19+s18+$0x0], $0xffff  }
0x175: {  	v6 =	vadd.f32 v29, v6;
	v13 =	vld.idx.msk [tilespmem:v23+s19+$0x0], $0xffff;
	v23 =	vadd.f32 v15, v16;
	v16 =	vmul.f32 v14, v11  }
0x176: {  	s2 =	sadd.s32 $0x1, s1;
	v21 =	vor.u32 s4, v7;
	v12 =	vmov v22;
	v11 =	vld.idx.msk [tilespmem:v26+s18+$0x0], $0xffff  }
0x177: {  	s1 =	sadd.s32 $0x4, s1;
	v19 =	vor.u32 s2, v5;
	v6 =	vadd.f32 v24, v6;
	v15 =	vmovc v25;
	v14 =	vld.idx.msk [tilespmem:v28+s19+$0x0], $0xffff;
	v16 =	vadd.f32 v16, v23  }
0x178: {  	_ =	sdelay $0x3  }
0x179: {  	v20 =	vld.idx.msk [tilespmem:v20+s18+$0x0], $0xffff;
	v22 =	vor.u32 s2, v7;
	s0 =	sadd.s32 $0x3, s0  }
0x17a: {  	v18 =	vld.idx.msk [tilespmem:v18+s19+$0x0], $0xffff;
	v5 =	vor.u32 s0, v5  }
0x17b: {  	v17 =	vld.idx.msk [tilespmem:v17+s18+$0x0], $0xffff;
	v7 =	vor.u32 s0, v7  }
0x17c: {  	v21 =	vld.idx.msk [tilespmem:v21+s19+$0x0], $0xffff  }
0x17d: {  	v19 =	vld.idx.msk [tilespmem:v19+s18+$0x0], $0xffff  }
0x17e: {  	v12 =	vmul.f32 v15, v12;
	v57 =	vld.idx.msk [tilespmem:v22+s19+$0x0], $0xffff  }
0x17f: {  	v10 =	vmul.f32 v13, v10;
	v5 =	vld.idx.msk [tilespmem:v5+s18+$0x0], $0xffff  }
0x180: {  	v8 =	vmul.f32 v9, v8;
	v6 =	vadd.f32 v12, v6;
	v7 =	vld.idx.msk [tilespmem:v7+s19+$0x0], $0xffff  }
0x181: {  	v58 =	vadd.f32 v10, v16;
	v59 =	vmul.f32 v14, v11  }
0x182: {  	v6 =	vadd.f32 v8, v6  }
0x183: {  	v61 =	vmul.f32 v18, v20;
	v60 =	vadd.f32 v59, v58;
	v62 =	vmul.f32 v57, v19  }
0x184: {  	v63 =	vmul.f32 v21, v17  }
.Ltmp12:
0x185: {  	v6 =	vadd.f32 v61, v6;
	v5 =	vmul.f32 v7, v5;
	v8 =	vadd.f32 v62, v60;
	(pc) =	sbr.rel .LBB2_16-.Ltmp12, $3  }
0x186: {  	_ = 	snop  }
0x187: {  	v6 =	vadd.f32 v63, v6;
	v5 =	vadd.f32 v5, v8;
	_ =	sdelay $0x1  }
0x188: {  	s0 =	simm.s32 $0x18600;
	v5 =	vadd.f32 v5, v6  }
.LBB2_13:
0x189: {  	v7 =	vor.u32 s28, v5  }
0x18a: {  	s0 =	simm.s32 $0x2;
	v8 =	vmov s28  }
0x18b: {  	v9 =	vor.u32 s0, v5  }
0x18c: {  	s1 =	simm.s32 $0x1;
	v10 =	vmov s0  }
0x18d: {  	v12 =	vor.u32 s1, v5  }
0x18e: {  	s25 =	simm.s32 $0x3;
	v13 =	vmov s1;
	v11 =	vld.idx.msk [tilespmem:v7+s18+$0x0], $0xffff  }
0x18f: {  	v15 =	vor.u32 s25, v5;
	v14 =	vld.idx.msk [tilespmem:v8+s13+$0x0], $0xffff  }
0x190: {  	v21 =	vmov s25;
	s0 =	simm.s32 $0x4;
	v7 =	vld.idx.msk [tilespmem:v9+s18+$0x0], $0xffff  }
0x191: {  	v19 =	vor.u32 s0, v5;
	v8 =	vld.idx.msk [tilespmem:v10+s13+$0x0], $0xffff  }
0x192: {  	s31 =	simm.s32 $0x6;
	v17 =	vmov s0;
	v9 =	vld.idx.msk [tilespmem:v12+s18+$0x0], $0xffff  }
0x193: {  	v16 =	vor.u32 s31, v5;
	v12 =	vld.idx.msk [tilespmem:v13+s13+$0x0], $0xffff  }
0x194: {  	s2 =	simm.s32 $0x5;
	v20 =	vmov s31;
	v10 =	vld.idx.msk [tilespmem:v15+s18+$0x0], $0xffff  }
0x195: {  	v18 =	vor.u32 s2, v5;
	s1 =	simm.s32 $0x8;
	v13 =	vld.idx.msk [tilespmem:v21+s13+$0x0], $0xffff;
	v15 =	vimm.f32 $0.0e+00  }
.LBB2_14:
0x196: {  	p2 =	sne.s32 s1, $0x3C;
	v21 =	vld.idx.msk [tilespmem:v19+s18+$0x0], $0xffff;
	v22 =	vmov s2;
	s2 =	sadd.s32 $0x3, s0;
	v23 =	vmov v7;
	s0 =	smov.u32 s1  }
0x197: {  	v26 =	vmov v8;
	v24 =	vld.idx.msk [tilespmem:v17+s13+$0x0], $0xffff;
	v25 =	vor.u32 s2, v5  }
0x198: {  	v27 =	vmov s2;
	v7 =	vld.idx.msk [tilespmem:v16+s18+$0x0], $0xffff  }
.Ltmp13:
0x199: {  	v19 =	vor.u32 s1, v5;
	s4 =	sadd.s32 $0x2, s1;
	v28 =	vmul.f32 v14, v11;
	v14 =	vmul.f32 v12, v9;
	v8 =	vld.idx.msk [tilespmem:v20+s13+$0x0], $0xffff;
	(pc) =	sbr.rel @p2 .LBB2_14-.Ltmp13, $4  }
0x19a: {  	v17 =	vmov s1;
	v23 =	vmul.f32 v26, v23;
	v16 =	vor.u32 s4, v5;
	v9 =	vld.idx.msk [tilespmem:v18+s18+$0x0], $0xffff  }
0x19b: {  	v6 =	vadd.f32 v28, v6;
	v12 =	vld.idx.msk [tilespmem:v22+s13+$0x0], $0xffff;
	v22 =	vadd.f32 v14, v15;
	v15 =	vmul.f32 v13, v10  }
0x19c: {  	s2 =	sadd.s32 $0x1, s1;
	v20 =	vmov s4;
	v11 =	vmov v21;
	v10 =	vld.idx.msk [tilespmem:v25+s18+$0x0], $0xffff  }
0x19d: {  	s1 =	sadd.s32 $0x4, s1;
	v18 =	vor.u32 s2, v5;
	v6 =	vadd.f32 v23, v6;
	v14 =	vmovc v24;
	v13 =	vld.idx.msk [tilespmem:v27+s13+$0x0], $0xffff;
	v15 =	vadd.f32 v15, v22  }
.Ltmp14:
0x19e: {  	_ = 	snop;
	(pc) =	sbr.rel .LBB2_15-.Ltmp14, $1  }
0x19f: {  	_ =	sdelay $0x3  }
.LBB2_19:
0x1a0: {  	_ =	sfence.sel $0x180000  }
0x1a1: {  	[bflag:$0x0] =	sbarrier.arrive $0xFFFF  }
0x1a2: {  	_ =	strace $0x90000047  }
0x1a3: {  	s0 =	stileid.u32;
	[bflag:$0x2] =	sbarrier.arrive $0xFFFF  }
0x1a4: {  	p0 =	sne.s32 s0, $0x0;
	s0 =	rddreg [dreg:$0x9]  }
0x1a5: {  	s0 =	sadd.s32 @!p0 $0x100000, s0  }
0x1a6: {  	[sflag:s0] =	ssyncadd.tile.s32 @!p0 $0x1;
	_ =	shalt  }
.Lfunc_end2:
_tile_overlayer_lowered:
.L_overlay_start_2:
0x1a7: {  	(tag) =	ssettag $0x2  }
0x1a8: {  	s0 =	rddreg [dreg:$0x0];
	s2 =	stileid.u32  }
0x1a9: {  	s1 =	rddreg [dreg:$0x1];
	p0 =	sne.s32 s2, $0x0  }
0x1aa: {  	s3 =	rddreg [dreg:$0x2];
	[bflag:$0x3] =	sbarrier.arrive $0xFFFF;
	s2 =	simm.s32 @!p0 $0x1C05  }
0x1ab: {  	[timem:s3], [sflag:s2] =	dma.local @!p0 [hbm:s0], s1  }
0x1ac: {  	s0 =	simm.s32 @!p0 $0x5  }
0x1ad: {  	_ =	swait.ge @!p0 [sflag:s0], s1  }
0x1ae: {  	s1 =	ssub.s32 @!p0 $0x0, s1;
	[sflag:s0] =	ssyncset.done @!p0 $0x0  }
0x1af: {  	[sflag:s0] =	ssyncadd.s32 @!p0 s1  }
0x1b0: {  	[bflag:$0x3] =	sbarrier.arrive $0xFFFF  }
0x1b1: {  	_ =	shalt  }

</sc_bundles>
